<compile_context>
chip_gen: v7x
topology: tpu7x:2x2x1
jax: 0.10.2.dev20260603
libtpu: 0.0.44.dev20260713+nightly
codegen_flags: <defaults>
</compile_context>

<pallas_src>
import functools

import jax
import jax.numpy as jnp
from jax import lax
from jax.experimental import pallas as pl
from jax.experimental.pallas import tpu as pltpu
from jax.experimental.pallas import tpu_sc as plsc

F32 = jnp.float32
I32 = jnp.int32
_HIGH = lax.Precision.HIGHEST

FAST = 64
SLOW = 256
MAXI = 0x7FFFFFFF
NCORE = 2
NSUB = 16


def _dot(a, b, dims, precision=_HIGH):
    return lax.dot_general(a, b, (dims, ((), ())), precision=precision,
                           preferred_element_type=F32)


def _proj_body(seq_ref, ww_ref, wd_ref, bw_ref, bd_ref, wq_ref, bq_ref,
               encT_ref, pT_ref):
    B, T, H = seq_ref.shape
    bw = bw_ref[0, 0]
    bd = bd_ref[0, 0]

    ww16 = jnp.broadcast_to(ww_ref[...], (2 * B, H))
    wd16 = jnp.broadcast_to(wd_ref[...], (2 * B, H))
    iota2b = lax.broadcasted_iota(I32, (2 * B, H), 0)
    sd = jnp.zeros((T, 2 * B), F32)
    for b in range(B):
        rhs = (jnp.where(iota2b == b, ww16, 0.0)
               + jnp.where(iota2b == B + b, wd16, 0.0))
        sd = sd + _dot(seq_ref[b], rhs, ((1,), (1,)))
    s = 1.0 / (1.0 + jnp.exp(-(sd[:, 0:B] + bw)))
    d = sd[:, B:2 * B] + bd

    bits = lax.bitcast_convert_type(d, I32)
    key = jnp.where(bits < 0, (~bits) ^ jnp.int32(-2147483648), bits)
    write = ~(s < 0.4)
    encT_ref[...] = jnp.where(write, key, jnp.int32(MAXI))

    q = _dot(seq_ref[:, T - 1, :], wq_ref[...], ((1,), (1,)),
             precision=None) + bq_ref[...]
    iota_bh = lax.broadcasted_iota(I32, (B, H), 0)
    pT = jnp.zeros((T, B), F32)
    for b in range(B):
        qb = jnp.where(iota_bh == b, jnp.broadcast_to(q[b:b + 1, :], (B, H)),
                       0.0)
        pT = pT + _dot(seq_ref[b], qb, ((1,), (1,)), precision=None)
    pT_ref[...] = pT


def _sc_body(enc_hbm, ftok_hbm, stok_hbm, cnt_hbm,
             enc_v, fd_v, ftok_v, stok_v, cnt_v, sem):
    b = lax.axis_index("s") * NCORE + lax.axis_index("c")
    B, T = enc_hbm.shape
    STEPS = T - 3

    @pl.when(b < B)
    def _():
        pltpu.sync_copy(enc_hbm.at[b], enc_v.at[pl.ds(0, T)])
        for j in range(FAST // 16):
            fd_v[pl.ds(16 * j, 16)] = jnp.full((16,), MAXI, I32)
        iota16 = lax.broadcasted_iota(I32, (16,), 0)
        lane0 = iota16 == 0

        def vmin_all(x):
            for k in (8, 4, 2, 1):
                sh = x.at[iota16 ^ k].get(mode="promise_in_bounds")
                x = jnp.minimum(x, sh)
            return x[0]

        def put1(ref, idx, val):
            plsc.store_scatter(ref, [jnp.full((16,), idx, I32)],
                               jnp.full((16,), val, I32), mask=lane0)

        def step(t, carry):
            nf, ns = carry
            e = enc_v[pl.ds(t, 16)][0]

            def no_write(nf, ns):
                return nf, ns

            def do_write(nf, ns):
                def not_full(nf, ns):
                    put1(fd_v, nf, e)
                    put1(ftok_v, nf, t)
                    return nf + 1, ns

                def full(nf, ns):
                    vs = [fd_v[pl.ds(16 * j, 16)] for j in range(4)]
                    m = jnp.minimum(jnp.minimum(vs[0], vs[1]),
                                    jnp.minimum(vs[2], vs[3]))
                    gmin = vmin_all(m)
                    em_vec = jnp.full((16,), MAXI, I32)
                    for j in range(4):
                        tk = ftok_v[pl.ds(16 * j, 16)]
                        enc2 = jnp.where(vs[j] == gmin,
                                         (iota16 + 16 * j) * 1024 + tk,
                                         jnp.int32(MAXI))
                        em_vec = jnp.minimum(em_vec, enc2)
                    em = vmin_all(em_vec)
                    ds_ = em >> 10
                    demoted = em & 1023
                    ss = ns & (SLOW - 1)
                    put1(stok_v, ss, demoted)
                    put1(fd_v, ds_, e)
                    put1(ftok_v, ds_, t)
                    return nf, ns + 1

                return lax.cond(nf >= FAST, full, not_full, nf, ns)

            return lax.cond(e != jnp.int32(MAXI), do_write, no_write, nf, ns)

        nf, ns = lax.fori_loop(0, STEPS, step,
                               (jnp.int32(0), jnp.int32(0)))
        cnt_vec = jnp.where(lane0, jnp.full((16,), nf, I32),
                            jnp.where(iota16 == 1,
                                      jnp.full((16,), jnp.minimum(ns, SLOW),
                                               I32),
                                      jnp.zeros((16,), I32)))
        cnt_v[pl.ds(0, 16)] = cnt_vec
        pltpu.sync_copy(ftok_v, ftok_hbm.at[b])
        pltpu.sync_copy(stok_v, stok_hbm.at[b])
        pltpu.sync_copy(cnt_v, cnt_hbm.at[b])


def _attn_body(seq_ref, pT_ref, ftok_ref, stok_ref, cnt_ref, wo_ref, bo_ref,
               logits_ref, smask_ref):
    B, T, H = seq_ref.shape
    N = FAST + SLOW

    nf = cnt_ref[:, 0:1]
    ns = cnt_ref[:, 1:2]
    tok = jnp.concatenate([ftok_ref[...], stok_ref[...]], axis=1)
    iota_n = lax.broadcasted_iota(I32, (B, N), 1)
    used = ((iota_n < FAST) & (iota_n < nf)) | ((iota_n >= FAST)
                                               & (iota_n - FAST < ns))

    pT = pT_ref[...]
    sub_n = lax.broadcasted_iota(I32, (B, N), 0)
    iota_tn = lax.broadcasted_iota(I32, (T, N), 0)
    scores = jnp.zeros((B, N), F32)
    for b in range(B):
        ohT_b = (iota_tn == jnp.broadcast_to(tok[b:b + 1, :], (T, N))
                 ).astype(F32)
        prod = _dot(pT, ohT_b, ((0,), (0,)))
        scores = scores + jnp.where(sub_n == b, prod, 0.0)

    scores = jnp.where(used, scores, -1.0e9)
    m = jnp.max(scores, axis=1, keepdims=True)
    e = jnp.exp(scores - m)
    attn = e / jnp.sum(e, axis=1, keepdims=True)
    attn = jnp.where(used, attn, 0.0)

    lane_tb = lax.broadcasted_iota(I32, (T, B), 1)
    W = jnp.zeros((T, B), F32)
    for b in range(B):
        ohT_b = (iota_tn == jnp.broadcast_to(tok[b:b + 1, :], (T, N))
                 ).astype(F32)
        prod = _dot(ohT_b, attn, ((1,), (1,)))
        W = W + jnp.where(lane_tb == b, prod, 0.0)

    sub_h = lax.broadcasted_iota(I32, (B, H), 0)
    ctx = jnp.zeros((B, H), F32)
    for b in range(B):
        prod = _dot(W, seq_ref[b], ((0,), (0,)))
        ctx = ctx + jnp.where(sub_h == b, prod, 0.0)

    logits_ref[...] = _dot(ctx, wo_ref[...], ((1,), (1,)),
                           precision=None) + bo_ref[...]
    iota_s = lax.broadcasted_iota(I32, (B, SLOW), 1)
    smask_ref[...] = (iota_s < ns).astype(F32)


@jax.jit
def kernel(seq, w_write, b_write, w_dem, b_dem, Wq, bq, Wout, bout):
    B, T, H = seq.shape
    VOCAB = Wout.shape[0]
    vspec = pl.BlockSpec(memory_space=pltpu.VMEM)
    sspec = pl.BlockSpec(memory_space=pltpu.SMEM)

    encT, pT = pl.pallas_call(
        _proj_body,
        out_shape=[jax.ShapeDtypeStruct((T, B), I32),
                   jax.ShapeDtypeStruct((T, B), F32)],
        in_specs=[vspec, vspec, vspec, sspec, sspec, vspec, vspec],
        compiler_params=pltpu.CompilerParams(
            vmem_limit_bytes=100 * 1024 * 1024),
    )(seq, w_write, w_dem, b_write.reshape(1, 1), b_dem.reshape(1, 1),
      Wq, bq.reshape(1, H))

    enc = encT.T

    sc_machine = functools.partial(
        pl.kernel,
        out_type=[jax.ShapeDtypeStruct((B, FAST), I32),
                  jax.ShapeDtypeStruct((B, SLOW), I32),
                  jax.ShapeDtypeStruct((B, 16), I32)],
        mesh=plsc.VectorSubcoreMesh(core_axis_name="c", subcore_axis_name="s"),
        compiler_params=pltpu.CompilerParams(needs_layout_passes=False),
        scratch_types=[pltpu.VMEM((T + 16,), I32),
                       pltpu.VMEM((FAST,), I32),
                       pltpu.VMEM((FAST,), I32),
                       pltpu.VMEM((SLOW,), I32),
                       pltpu.VMEM((16,), I32),
                       pltpu.SemaphoreType.DMA],
    )(_sc_body)
    ftok, stok, cnt = sc_machine(enc)

    logits, smask = pl.pallas_call(
        _attn_body,
        out_shape=[jax.ShapeDtypeStruct((B, VOCAB), F32),
                   jax.ShapeDtypeStruct((B, SLOW), F32)],
        in_specs=[vspec] * 7,
        compiler_params=pltpu.CompilerParams(
            vmem_limit_bytes=100 * 1024 * 1024),
    )(seq, pT, ftok, stok, cnt, Wout, bout.reshape(1, VOCAB))
    return logits, smask

# --- scband reference (transcript-rebuilt; emitter-appended) ---
"""Pipeline reference for scband-tiered-memory-module-35270271435143 (READ-ONLY COPY).

The authoritative reference and input builder live on the scoring server;
editing this copy changes nothing except your own understanding.
"""

import jax, jax.numpy as jnp
from jax import lax
import numpy as np

H = 512
FAST = 64
SLOW = 256
VOCAB = 64
B = 8
T = 512


def setup_inputs(seed: int = 0) -> dict:
    key = jax.random.key(seed)
    ks = jax.random.split(key, 8)
    seq = jax.random.normal(ks[0], (B, T, H), dtype=jnp.float32)
    w_write = jax.random.normal(ks[1], (1, H), dtype=jnp.float32) * 0.02
    b_write = jnp.zeros((1,), dtype=jnp.float32)
    w_dem = jax.random.normal(ks[2], (1, H), dtype=jnp.float32) * 0.02
    b_dem = jnp.zeros((1,), dtype=jnp.float32)
    Wq = jax.random.normal(ks[3], (H, H), dtype=jnp.float32) * 0.02
    bq = jnp.zeros((H,), dtype=jnp.float32)
    Wout = jax.random.normal(ks[4], (VOCAB, H), dtype=jnp.float32) * 0.02
    bout = jnp.zeros((VOCAB,), dtype=jnp.float32)
    return {"seq": seq, "w_write": w_write, "b_write": b_write,
            "w_dem": w_dem, "b_dem": b_dem, "Wq": Wq, "bq": bq,
            "Wout": Wout, "bout": bout}


def _build_memory(h, w_write, b_write, w_dem, b_dem):
    # Non-differentiable tiered-memory construction (torch version writes
    # detached values and uses .item() control flow -> no grads flow here).
    Bn, Tn, _ = h.shape
    fast_mem = jnp.zeros((Bn, FAST, H), jnp.float32)
    slow_mem = jnp.zeros((Bn, SLOW, H), jnp.float32)
    fast_age = jnp.zeros((Bn, FAST), jnp.int32)
    slow_age = jnp.zeros((Bn, SLOW), jnp.int32)
    fast_used = jnp.zeros((Bn, FAST), bool)
    slow_used = jnp.zeros((Bn, SLOW), bool)
    write_scores = 1.0 / (1.0 + jnp.exp(-(
        jnp.einsum('bth,oh->bto', h, w_write, precision='highest') + b_write)))[..., 0]  # (B, T)

    def body_b(tok, score, fm, sm, fa, sa, fu, su):
        write = ~(score < 0.4)
        any_fast_free = ~jnp.all(fu)
        free_slot = jnp.argmax(~fu)
        dem = (jnp.einsum('fh,oh->fo', fm, w_dem, precision='highest') + b_dem)[:, 0]
        ds = jnp.argmin(dem)
        demoted = fm[ds]
        any_slow_free = ~jnp.all(su)
        ss = jnp.where(any_slow_free, jnp.argmax(~su), jnp.argmax(sa))
        fslot = jnp.where(any_fast_free, free_slot, ds)
        do_slow = write & ~any_fast_free
        sm = jnp.where(do_slow, sm.at[ss].set(demoted), sm)
        sa = jnp.where(do_slow, sa.at[ss].set(0), sa)
        su = jnp.where(do_slow, su.at[ss].set(True), su)
        fm = jnp.where(write, fm.at[fslot].set(tok), fm)
        fa = jnp.where(write, fa.at[fslot].set(0), fa)
        fu = jnp.where(write, fu.at[fslot].set(True), fu)
        return fm, sm, fa, sa, fu, su

    def body_t(t, state):
        fm, sm, fa, sa, fu, su = state
        fa = fa + fu.astype(jnp.int32)
        sa = sa + su.astype(jnp.int32)
        tok = h[:, t, :]
        score = write_scores[:, t]
        return jax.vmap(body_b)(tok, score, fm, sm, fa, sa, fu, su)

    state = (fast_mem, slow_mem, fast_age, slow_age, fast_used, slow_used)
    state = lax.fori_loop(0, Tn - 3, body_t, state)
    fm, sm, fa, sa, fu, su = state
    mem = jnp.concatenate([fm, sm], axis=1)
    mask = jnp.concatenate([fu, su], axis=1).astype(jnp.float32)
    return mem, mask, su.astype(jnp.float32)


def reference(seq, w_write, b_write, w_dem, b_dem, Wq, bq, Wout, bout):
    # encoder is modeled as identity: h = seq
    mem, mask, slow_mask = _build_memory(seq, w_write, b_write, w_dem, b_dem)
    memory = jnp.asarray(mem)
    mask_j = jnp.asarray(mask)
    query_h = seq[:, -1, :]
    q = query_h @ Wq.T + bq
    scores = jnp.einsum('bnh,bh->bn', memory, q)
    scores = jnp.where(mask_j == 0, -1000000000.0, scores)
    attn = jax.nn.softmax(scores, axis=-1)
    ctx = jnp.sum(attn[..., None] * memory, axis=1)
    logits = ctx @ Wout.T + bout
    return (logits, jnp.asarray(slow_mask))

if __name__ == "__main__":
    import jax
    _d = setup_inputs()
    print(jax.jit(kernel)(*tuple(_d.values())))

</pallas_src>

<mosaic_0001>
#map = affine_map<(d0, d1) -> (0, 0)>
module attributes {stable_mosaic.version = 14 : i64} {
  func.func @_sc_body(%arg0: i32, %arg1: i32, %arg2: memref<8x512xi32, #tpu.memory_space<hbm>>, %arg3: memref<8x64xi32, #tpu.memory_space<hbm>>, %arg4: memref<8x256xi32, #tpu.memory_space<hbm>>, %arg5: memref<8x16xi32, #tpu.memory_space<hbm>>, %arg6: memref<528xi32, #tpu.memory_space<vmem>>, %arg7: memref<64xi32, #tpu.memory_space<vmem>>, %arg8: memref<64xi32, #tpu.memory_space<vmem>>, %arg9: memref<256xi32, #tpu.memory_space<vmem>>, %arg10: memref<16xi32, #tpu.memory_space<vmem>>, %arg11: memref<!tpu.dma_semaphore, #tpu.memory_space<semaphore_mem>>) attributes {dimension_semantics = [#tpu.dimension_semantics<core_parallel>, #tpu.dimension_semantics<subcore_parallel>], iteration_bounds = array<i64: 2, 16>, scalar_prefetch = 0 : i64, scratch_operands = 6 : i64, tpu.core_type = #tpu.core_type<sc_vector_subcore>, window_params = [{transform_indices = #map}, {transform_indices = #map}, {transform_indices = #map}, {transform_indices = #map}]} {
    %mul3A = arith.constant 2 : i32
    %mul3A_0 = arith.muli %arg1, %mul3A : i32
    %add3A = arith.addi %mul3A_0, %arg0 : i32
    %lt3A = arith.constant 8 : i32
    %lt3A_1 = arith.cmpi slt, %add3A, %lt3A : i32
    %convert_element_type3A = arith.extui %lt3A_1 : i1 to i32
    %cond3A = arith.constant 0 : i32
    %cond3A_2 = arith.cmpi ne, %convert_element_type3A, %cond3A : i32
    scf.if %cond3A_2 {
      "tpu.region"() ({
        %run_scoped3A = tpu.sem_alloc : memref<!tpu.dma_semaphore, #tpu.memory_space<semaphore_mem>>
        %dma_start3A = arith.constant 0 : i32
        %dma_start3A_37 = tpu.memref_slice %arg6[%dma_start3A] : memref<528xi32, #tpu.memory_space<vmem>> -> memref<512xi32, #tpu.memory_space<vmem>>
        %dma_start3A_38 = arith.constant 0 : i32
        %dma_start3A_39 = tpu.memref_slice %arg2[%add3A, %dma_start3A_38] : memref<8x512xi32, #tpu.memory_space<hbm>> -> memref<1x512xi32, #tpu.memory_space<hbm>>
        %dma_start3A_40 = tpu.memref_squeeze %dma_start3A_39 : memref<1x512xi32, #tpu.memory_space<hbm>> -> memref<512xi32, #tpu.memory_space<hbm>>
        %dma_start3A_41 = arith.constant 0 : i32
        %dma_start3A_42 = tpu.memref_slice %arg6[%dma_start3A_41] : memref<528xi32, #tpu.memory_space<vmem>> -> memref<512xi32, #tpu.memory_space<vmem>>
        %dma_start3A_43 = arith.constant 0 : i32
        %dma_start3A_44 = tpu.memref_slice %arg2[%add3A, %dma_start3A_43] : memref<8x512xi32, #tpu.memory_space<hbm>> -> memref<1x512xi32, #tpu.memory_space<hbm>>
        %dma_start3A_45 = tpu.memref_squeeze %dma_start3A_44 : memref<1x512xi32, #tpu.memory_space<hbm>> -> memref<512xi32, #tpu.memory_space<hbm>>
        tpu.enqueue_dma source(%dma_start3A_45 : memref<512xi32, #tpu.memory_space<hbm>>) target(%dma_start3A_42 : memref<512xi32, #tpu.memory_space<vmem>>) target_semaphore(%run_scoped3A : memref<!tpu.dma_semaphore, #tpu.memory_space<semaphore_mem>>)
        %dma_wait3A = arith.constant 0 : i32
        %dma_wait3A_46 = tpu.memref_slice %arg6[%dma_wait3A] : memref<528xi32, #tpu.memory_space<vmem>> -> memref<512xi32, #tpu.memory_space<vmem>>
        %dma_wait3A_47 = arith.constant 0 : i32
        %dma_wait3A_48 = tpu.memref_slice %arg2[%add3A, %dma_wait3A_47] : memref<8x512xi32, #tpu.memory_space<hbm>> -> memref<1x512xi32, #tpu.memory_space<hbm>>
        %dma_wait3A_49 = tpu.memref_squeeze %dma_wait3A_48 : memref<1x512xi32, #tpu.memory_space<hbm>> -> memref<512xi32, #tpu.memory_space<hbm>>
        %dma_wait3A_50 = arith.constant 0 : i32
        %dma_wait3A_51 = tpu.memref_slice %arg6[%dma_wait3A_50] : memref<528xi32, #tpu.memory_space<vmem>> -> memref<512xi32, #tpu.memory_space<vmem>>
        %dma_wait3A_52 = arith.constant 0 : i32
        %dma_wait3A_53 = tpu.memref_slice %arg2[%add3A, %dma_wait3A_52] : memref<8x512xi32, #tpu.memory_space<hbm>> -> memref<1x512xi32, #tpu.memory_space<hbm>>
        %dma_wait3A_54 = tpu.memref_squeeze %dma_wait3A_53 : memref<1x512xi32, #tpu.memory_space<hbm>> -> memref<512xi32, #tpu.memory_space<hbm>>
        tpu.wait_dma2 semaphore(%run_scoped3A : memref<!tpu.dma_semaphore, #tpu.memory_space<semaphore_mem>>) src(%dma_wait3A_54 : memref<512xi32, #tpu.memory_space<hbm>>) dst(%dma_wait3A_51 : memref<512xi32, #tpu.memory_space<vmem>>)
        tpu.yield
      }) : () -> ()
      %broadcast_in_dim3A = arith.constant 2147483647 : i32
      %broadcast_in_dim3A_3 = vector.broadcast %broadcast_in_dim3A : i32 to vector<16xi32>
      %swap3A = arith.constant 0 : index
      %swap3A_4 = tpu.vector_load %arg7[%swap3A] {strides = array<i32>} : memref<64xi32, #tpu.memory_space<vmem>>, vector<16xi32>,
      tpu.vector_store %arg7[%swap3A], %broadcast_in_dim3A_3 {strides = array<i32>} : memref<64xi32, #tpu.memory_space<vmem>>, vector<16xi32>,
      %broadcast_in_dim3A_5 = arith.constant 2147483647 : i32
      %broadcast_in_dim3A_6 = vector.broadcast %broadcast_in_dim3A_5 : i32 to vector<16xi32>
      %swap3A_7 = arith.constant 16 : index
      %swap3A_8 = tpu.vector_load %arg7[%swap3A_7] {strides = array<i32>} : memref<64xi32, #tpu.memory_space<vmem>>, vector<16xi32>,
      tpu.vector_store %arg7[%swap3A_7], %broadcast_in_dim3A_6 {strides = array<i32>} : memref<64xi32, #tpu.memory_space<vmem>>, vector<16xi32>,
      %broadcast_in_dim3A_9 = arith.constant 2147483647 : i32
      %broadcast_in_dim3A_10 = vector.broadcast %broadcast_in_dim3A_9 : i32 to vector<16xi32>
      %swap3A_11 = arith.constant 32 : index
      %swap3A_12 = tpu.vector_load %arg7[%swap3A_11] {strides = array<i32>} : memref<64xi32, #tpu.memory_space<vmem>>, vector<16xi32>,
      tpu.vector_store %arg7[%swap3A_11], %broadcast_in_dim3A_10 {strides = array<i32>} : memref<64xi32, #tpu.memory_space<vmem>>, vector<16xi32>,
      %broadcast_in_dim3A_13 = arith.constant 2147483647 : i32
      %broadcast_in_dim3A_14 = vector.broadcast %broadcast_in_dim3A_13 : i32 to vector<16xi32>
      %swap3A_15 = arith.constant 48 : index
      %swap3A_16 = tpu.vector_load %arg7[%swap3A_15] {strides = array<i32>} : memref<64xi32, #tpu.memory_space<vmem>>, vector<16xi32>,
      tpu.vector_store %arg7[%swap3A_15], %broadcast_in_dim3A_14 {strides = array<i32>} : memref<64xi32, #tpu.memory_space<vmem>>, vector<16xi32>,
      %iota3A = tpu.iota {dimensions = array<i32: 0>} : vector<16xi32>
      %eq3A = arith.constant 0 : i32
      %eq3A_17 = vector.broadcast %eq3A : i32 to vector<16xi32>
      %eq3A_18 = arith.cmpi eq, %iota3A, %eq3A_17 : vector<16xi32>
      %scan3A = arith.constant 0 : i32
      %scan3A_19 = arith.constant 0 : i32
      %scan3A_20 = arith.constant 0 : i32
      %scan3A_21 = arith.constant 509 : i32
      %scan3A_22 = arith.addi %scan3A_20, %scan3A_21 : i32
      %scan3A_23 = arith.constant 1 : i32
      %scan3A_24:2 = scf.for %scan3A_37 = %scan3A_20 to %scan3A_22 step %scan3A_23 iter_args(%scan3A_38 = %scan3A, %scan3A_39 = %scan3A_19) -> (i32, i32)  : i32 {
        %get3A = arith.index_cast %scan3A_37 : i32 to index
        %get3A_40 = tpu.vector_load %arg6[%get3A] {strides = array<i32>} : memref<528xi32, #tpu.memory_space<vmem>>, vector<16xi32>,
        %slice3A = vector.extract_strided_slice %get3A_40 {offsets = [0], sizes = [1], strides = [1]} : vector<16xi32> to vector<1xi32>
        %squeeze3A = vector.extract %slice3A[0] : i32 from vector<1xi32>
        %ne3A = arith.constant 2147483647 : i32
        %ne3A_41 = arith.cmpi ne, %squeeze3A, %ne3A : i32
        %convert_element_type3A_42 = arith.extui %ne3A_41 : i1 to i32
        %cond3A_43 = arith.constant 0 : i32
        %cond3A_44 = arith.cmpi ne, %convert_element_type3A_42, %cond3A_43 : i32
        %cond3A_45:2 = scf.if %cond3A_44 -> (i32, i32) {
          %ge3A = arith.constant 64 : i32
          %ge3A_46 = arith.cmpi sge, %scan3A_38, %ge3A : i32
          %convert_element_type3A_47 = arith.extui %ge3A_46 : i1 to i32
          %cond3A_48 = arith.constant 0 : i32
          %cond3A_49 = arith.cmpi ne, %convert_element_type3A_47, %cond3A_48 : i32
          %cond3A_50:2 = scf.if %cond3A_49 -> (i32, i32) {
            %get3A_51 = arith.constant 0 : index
            %get3A_52 = tpu.vector_load %arg7[%get3A_51] {strides = array<i32>} : memref<64xi32, #tpu.memory_space<vmem>>, vector<16xi32>,
            %get3A_53 = arith.constant 16 : index
            %get3A_54 = tpu.vector_load %arg7[%get3A_53] {strides = array<i32>} : memref<64xi32, #tpu.memory_space<vmem>>, vector<16xi32>,
            %get3A_55 = arith.constant 32 : index
            %get3A_56 = tpu.vector_load %arg7[%get3A_55] {strides = array<i32>} : memref<64xi32, #tpu.memory_space<vmem>>, vector<16xi32>,
            %get3A_57 = arith.constant 48 : index
            %get3A_58 = tpu.vector_load %arg7[%get3A_57] {strides = array<i32>} : memref<64xi32, #tpu.memory_space<vmem>>, vector<16xi32>,
            %min3A_59 = arith.minsi %get3A_52, %get3A_54 : vector<16xi32>
            %min3A_60 = arith.minsi %get3A_56, %get3A_58 : vector<16xi32>
            %min3A_61 = arith.minsi %min3A_59, %min3A_60 : vector<16xi32>
            %xor3A = arith.constant 8 : i32
            %xor3A_62 = vector.broadcast %xor3A : i32 to vector<16xi32>
            %xor3A_63 = arith.xori %iota3A, %xor3A_62 : vector<16xi32>
            %lt3A_64 = arith.constant 0 : i32
            %lt3A_65 = vector.broadcast %lt3A_64 : i32 to vector<16xi32>
            %lt3A_66 = arith.cmpi slt, %xor3A_63, %lt3A_65 : vector<16xi32>
            %add3A_67 = arith.constant 16 : i32
            %add3A_68 = vector.broadcast %add3A_67 : i32 to vector<16xi32>
            %add3A_69 = arith.addi %xor3A_63, %add3A_68 : vector<16xi32>
            %select_n3A_70 = arith.select %lt3A_66, %add3A_69, %xor3A_63 : vector<16xi1>, vector<16xi32>
            %broadcast_in_dim3A_71 = vector.shape_cast %select_n3A_70 : vector<16xi32> to vector<16x1xi32>
            %gather3A = vector.shape_cast %broadcast_in_dim3A_71 : vector<16x1xi32> to vector<16xi32>
            %gather3A_72 = tpu.dynamic_gather %min3A_61[%gather3A] in [0] : vector<16xi32>, vector<16xi32> -> vector<16xi32>
            %min3A_73 = arith.minsi %min3A_61, %gather3A_72 : vector<16xi32>
            %xor3A_74 = arith.constant 4 : i32
            %xor3A_75 = vector.broadcast %xor3A_74 : i32 to vector<16xi32>
            %xor3A_76 = arith.xori %iota3A, %xor3A_75 : vector<16xi32>
            %lt3A_77 = arith.constant 0 : i32
            %lt3A_78 = vector.broadcast %lt3A_77 : i32 to vector<16xi32>
            %lt3A_79 = arith.cmpi slt, %xor3A_76, %lt3A_78 : vector<16xi32>
            %add3A_80 = arith.constant 16 : i32
            %add3A_81 = vector.broadcast %add3A_80 : i32 to vector<16xi32>
            %add3A_82 = arith.addi %xor3A_76, %add3A_81 : vector<16xi32>
            %select_n3A_83 = arith.select %lt3A_79, %add3A_82, %xor3A_76 : vector<16xi1>, vector<16xi32>
            %broadcast_in_dim3A_84 = vector.shape_cast %select_n3A_83 : vector<16xi32> to vector<16x1xi32>
            %gather3A_85 = vector.shape_cast %broadcast_in_dim3A_84 : vector<16x1xi32> to vector<16xi32>
            %gather3A_86 = tpu.dynamic_gather %min3A_73[%gather3A_85] in [0] : vector<16xi32>, vector<16xi32> -> vector<16xi32>
            %min3A_87 = arith.minsi %min3A_73, %gather3A_86 : vector<16xi32>
            %xor3A_88 = arith.constant 2 : i32
            %xor3A_89 = vector.broadcast %xor3A_88 : i32 to vector<16xi32>
            %xor3A_90 = arith.xori %iota3A, %xor3A_89 : vector<16xi32>
            %lt3A_91 = arith.constant 0 : i32
            %lt3A_92 = vector.broadcast %lt3A_91 : i32 to vector<16xi32>
            %lt3A_93 = arith.cmpi slt, %xor3A_90, %lt3A_92 : vector<16xi32>
            %add3A_94 = arith.constant 16 : i32
            %add3A_95 = vector.broadcast %add3A_94 : i32 to vector<16xi32>
            %add3A_96 = arith.addi %xor3A_90, %add3A_95 : vector<16xi32>
            %select_n3A_97 = arith.select %lt3A_93, %add3A_96, %xor3A_90 : vector<16xi1>, vector<16xi32>
            %broadcast_in_dim3A_98 = vector.shape_cast %select_n3A_97 : vector<16xi32> to vector<16x1xi32>
            %gather3A_99 = vector.shape_cast %broadcast_in_dim3A_98 : vector<16x1xi32> to vector<16xi32>
            %gather3A_100 = tpu.dynamic_gather %min3A_87[%gather3A_99] in [0] : vector<16xi32>, vector<16xi32> -> vector<16xi32>
            %min3A_101 = arith.minsi %min3A_87, %gather3A_100 : vector<16xi32>
            %xor3A_102 = arith.constant 1 : i32
            %xor3A_103 = vector.broadcast %xor3A_102 : i32 to vector<16xi32>
            %xor3A_104 = arith.xori %iota3A, %xor3A_103 : vector<16xi32>
            %lt3A_105 = arith.constant 0 : i32
            %lt3A_106 = vector.broadcast %lt3A_105 : i32 to vector<16xi32>
            %lt3A_107 = arith.cmpi slt, %xor3A_104, %lt3A_106 : vector<16xi32>
            %add3A_108 = arith.constant 16 : i32
            %add3A_109 = vector.broadcast %add3A_108 : i32 to vector<16xi32>
            %add3A_110 = arith.addi %xor3A_104, %add3A_109 : vector<16xi32>
            %select_n3A_111 = arith.select %lt3A_107, %add3A_110, %xor3A_104 : vector<16xi1>, vector<16xi32>
            %broadcast_in_dim3A_112 = vector.shape_cast %select_n3A_111 : vector<16xi32> to vector<16x1xi32>
            %gather3A_113 = vector.shape_cast %broadcast_in_dim3A_112 : vector<16x1xi32> to vector<16xi32>
            %gather3A_114 = tpu.dynamic_gather %min3A_101[%gather3A_113] in [0] : vector<16xi32>, vector<16xi32> -> vector<16xi32>
            %min3A_115 = arith.minsi %min3A_101, %gather3A_114 : vector<16xi32>
            %slice3A_116 = vector.extract_strided_slice %min3A_115 {offsets = [0], sizes = [1], strides = [1]} : vector<16xi32> to vector<1xi32>
            %squeeze3A_117 = vector.extract %slice3A_116[0] : i32 from vector<1xi32>
            %broadcast_in_dim3A_118 = arith.constant 2147483647 : i32
            %broadcast_in_dim3A_119 = vector.broadcast %broadcast_in_dim3A_118 : i32 to vector<16xi32>
            %get3A_120 = arith.constant 0 : index
            %get3A_121 = tpu.vector_load %arg8[%get3A_120] {strides = array<i32>} : memref<64xi32, #tpu.memory_space<vmem>>, vector<16xi32>,
            %eq3A_122 = vector.broadcast %squeeze3A_117 : i32 to vector<16xi32>
            %eq3A_123 = arith.cmpi eq, %get3A_52, %eq3A_122 : vector<16xi32>
            %add3A_124 = arith.constant 0 : i32
            %add3A_125 = vector.broadcast %add3A_124 : i32 to vector<16xi32>
            %add3A_126 = arith.addi %iota3A, %add3A_125 : vector<16xi32>
            %mul3A_127 = arith.constant 1024 : i32
            %mul3A_128 = vector.broadcast %mul3A_127 : i32 to vector<16xi32>
            %mul3A_129 = arith.muli %add3A_126, %mul3A_128 : vector<16xi32>
            %add3A_130 = arith.addi %mul3A_129, %get3A_121 : vector<16xi32>
            %jit3A = arith.constant 2147483647 : i32
            %broadcast_in_dim3A_131 = vector.broadcast %jit3A : i32 to vector<16xi32>
            %select_n3A_132 = arith.select %eq3A_123, %add3A_130, %broadcast_in_dim3A_131 : vector<16xi1>, vector<16xi32>
            %min3A_133 = arith.minsi %broadcast_in_dim3A_119, %select_n3A_132 : vector<16xi32>
            %get3A_134 = arith.constant 16 : index
            %get3A_135 = tpu.vector_load %arg8[%get3A_134] {strides = array<i32>} : memref<64xi32, #tpu.memory_space<vmem>>, vector<16xi32>,
            %eq3A_136 = vector.broadcast %squeeze3A_117 : i32 to vector<16xi32>
            %eq3A_137 = arith.cmpi eq, %get3A_54, %eq3A_136 : vector<16xi32>
            %add3A_138 = arith.constant 16 : i32
            %add3A_139 = vector.broadcast %add3A_138 : i32 to vector<16xi32>
            %add3A_140 = arith.addi %iota3A, %add3A_139 : vector<16xi32>
            %mul3A_141 = arith.constant 1024 : i32
            %mul3A_142 = vector.broadcast %mul3A_141 : i32 to vector<16xi32>
            %mul3A_143 = arith.muli %add3A_140, %mul3A_142 : vector<16xi32>
            %add3A_144 = arith.addi %mul3A_143, %get3A_135 : vector<16xi32>
            %jit3A_145 = arith.constant 2147483647 : i32
            %broadcast_in_dim3A_146 = vector.broadcast %jit3A_145 : i32 to vector<16xi32>
            %select_n3A_147 = arith.select %eq3A_137, %add3A_144, %broadcast_in_dim3A_146 : vector<16xi1>, vector<16xi32>
            %min3A_148 = arith.minsi %min3A_133, %select_n3A_147 : vector<16xi32>
            %get3A_149 = arith.constant 32 : index
            %get3A_150 = tpu.vector_load %arg8[%get3A_149] {strides = array<i32>} : memref<64xi32, #tpu.memory_space<vmem>>, vector<16xi32>,
            %eq3A_151 = vector.broadcast %squeeze3A_117 : i32 to vector<16xi32>
            %eq3A_152 = arith.cmpi eq, %get3A_56, %eq3A_151 : vector<16xi32>
            %add3A_153 = arith.constant 32 : i32
            %add3A_154 = vector.broadcast %add3A_153 : i32 to vector<16xi32>
            %add3A_155 = arith.addi %iota3A, %add3A_154 : vector<16xi32>
            %mul3A_156 = arith.constant 1024 : i32
            %mul3A_157 = vector.broadcast %mul3A_156 : i32 to vector<16xi32>
            %mul3A_158 = arith.muli %add3A_155, %mul3A_157 : vector<16xi32>
            %add3A_159 = arith.addi %mul3A_158, %get3A_150 : vector<16xi32>
            %jit3A_160 = arith.constant 2147483647 : i32
            %broadcast_in_dim3A_161 = vector.broadcast %jit3A_160 : i32 to vector<16xi32>
            %select_n3A_162 = arith.select %eq3A_152, %add3A_159, %broadcast_in_dim3A_161 : vector<16xi1>, vector<16xi32>
            %min3A_163 = arith.minsi %min3A_148, %select_n3A_162 : vector<16xi32>
            %get3A_164 = arith.constant 48 : index
            %get3A_165 = tpu.vector_load %arg8[%get3A_164] {strides = array<i32>} : memref<64xi32, #tpu.memory_space<vmem>>, vector<16xi32>,
            %eq3A_166 = vector.broadcast %squeeze3A_117 : i32 to vector<16xi32>
            %eq3A_167 = arith.cmpi eq, %get3A_58, %eq3A_166 : vector<16xi32>
            %add3A_168 = arith.constant 48 : i32
            %add3A_169 = vector.broadcast %add3A_168 : i32 to vector<16xi32>
            %add3A_170 = arith.addi %iota3A, %add3A_169 : vector<16xi32>
            %mul3A_171 = arith.constant 1024 : i32
            %mul3A_172 = vector.broadcast %mul3A_171 : i32 to vector<16xi32>
            %mul3A_173 = arith.muli %add3A_170, %mul3A_172 : vector<16xi32>
            %add3A_174 = arith.addi %mul3A_173, %get3A_165 : vector<16xi32>
            %jit3A_175 = arith.constant 2147483647 : i32
            %broadcast_in_dim3A_176 = vector.broadcast %jit3A_175 : i32 to vector<16xi32>
            %select_n3A_177 = arith.select %eq3A_167, %add3A_174, %broadcast_in_dim3A_176 : vector<16xi1>, vector<16xi32>
            %min3A_178 = arith.minsi %min3A_163, %select_n3A_177 : vector<16xi32>
            %xor3A_179 = arith.constant 8 : i32
            %xor3A_180 = vector.broadcast %xor3A_179 : i32 to vector<16xi32>
            %xor3A_181 = arith.xori %iota3A, %xor3A_180 : vector<16xi32>
            %lt3A_182 = arith.constant 0 : i32
            %lt3A_183 = vector.broadcast %lt3A_182 : i32 to vector<16xi32>
            %lt3A_184 = arith.cmpi slt, %xor3A_181, %lt3A_183 : vector<16xi32>
            %add3A_185 = arith.constant 16 : i32
            %add3A_186 = vector.broadcast %add3A_185 : i32 to vector<16xi32>
            %add3A_187 = arith.addi %xor3A_181, %add3A_186 : vector<16xi32>
            %select_n3A_188 = arith.select %lt3A_184, %add3A_187, %xor3A_181 : vector<16xi1>, vector<16xi32>
            %broadcast_in_dim3A_189 = vector.shape_cast %select_n3A_188 : vector<16xi32> to vector<16x1xi32>
            %gather3A_190 = vector.shape_cast %broadcast_in_dim3A_189 : vector<16x1xi32> to vector<16xi32>
            %gather3A_191 = tpu.dynamic_gather %min3A_178[%gather3A_190] in [0] : vector<16xi32>, vector<16xi32> -> vector<16xi32>
            %min3A_192 = arith.minsi %min3A_178, %gather3A_191 : vector<16xi32>
            %xor3A_193 = arith.constant 4 : i32
            %xor3A_194 = vector.broadcast %xor3A_193 : i32 to vector<16xi32>
            %xor3A_195 = arith.xori %iota3A, %xor3A_194 : vector<16xi32>
            %lt3A_196 = arith.constant 0 : i32
            %lt3A_197 = vector.broadcast %lt3A_196 : i32 to vector<16xi32>
            %lt3A_198 = arith.cmpi slt, %xor3A_195, %lt3A_197 : vector<16xi32>
            %add3A_199 = arith.constant 16 : i32
            %add3A_200 = vector.broadcast %add3A_199 : i32 to vector<16xi32>
            %add3A_201 = arith.addi %xor3A_195, %add3A_200 : vector<16xi32>
            %select_n3A_202 = arith.select %lt3A_198, %add3A_201, %xor3A_195 : vector<16xi1>, vector<16xi32>
            %broadcast_in_dim3A_203 = vector.shape_cast %select_n3A_202 : vector<16xi32> to vector<16x1xi32>
            %gather3A_204 = vector.shape_cast %broadcast_in_dim3A_203 : vector<16x1xi32> to vector<16xi32>
            %gather3A_205 = tpu.dynamic_gather %min3A_192[%gather3A_204] in [0] : vector<16xi32>, vector<16xi32> -> vector<16xi32>
            %min3A_206 = arith.minsi %min3A_192, %gather3A_205 : vector<16xi32>
            %xor3A_207 = arith.constant 2 : i32
            %xor3A_208 = vector.broadcast %xor3A_207 : i32 to vector<16xi32>
            %xor3A_209 = arith.xori %iota3A, %xor3A_208 : vector<16xi32>
            %lt3A_210 = arith.constant 0 : i32
            %lt3A_211 = vector.broadcast %lt3A_210 : i32 to vector<16xi32>
            %lt3A_212 = arith.cmpi slt, %xor3A_209, %lt3A_211 : vector<16xi32>
            %add3A_213 = arith.constant 16 : i32
            %add3A_214 = vector.broadcast %add3A_213 : i32 to vector<16xi32>
            %add3A_215 = arith.addi %xor3A_209, %add3A_214 : vector<16xi32>
            %select_n3A_216 = arith.select %lt3A_212, %add3A_215, %xor3A_209 : vector<16xi1>, vector<16xi32>
            %broadcast_in_dim3A_217 = vector.shape_cast %select_n3A_216 : vector<16xi32> to vector<16x1xi32>
            %gather3A_218 = vector.shape_cast %broadcast_in_dim3A_217 : vector<16x1xi32> to vector<16xi32>
            %gather3A_219 = tpu.dynamic_gather %min3A_206[%gather3A_218] in [0] : vector<16xi32>, vector<16xi32> -> vector<16xi32>
            %min3A_220 = arith.minsi %min3A_206, %gather3A_219 : vector<16xi32>
            %xor3A_221 = arith.constant 1 : i32
            %xor3A_222 = vector.broadcast %xor3A_221 : i32 to vector<16xi32>
            %xor3A_223 = arith.xori %iota3A, %xor3A_222 : vector<16xi32>
            %lt3A_224 = arith.constant 0 : i32
            %lt3A_225 = vector.broadcast %lt3A_224 : i32 to vector<16xi32>
            %lt3A_226 = arith.cmpi slt, %xor3A_223, %lt3A_225 : vector<16xi32>
            %add3A_227 = arith.constant 16 : i32
            %add3A_228 = vector.broadcast %add3A_227 : i32 to vector<16xi32>
            %add3A_229 = arith.addi %xor3A_223, %add3A_228 : vector<16xi32>
            %select_n3A_230 = arith.select %lt3A_226, %add3A_229, %xor3A_223 : vector<16xi1>, vector<16xi32>
            %broadcast_in_dim3A_231 = vector.shape_cast %select_n3A_230 : vector<16xi32> to vector<16x1xi32>
            %gather3A_232 = vector.shape_cast %broadcast_in_dim3A_231 : vector<16x1xi32> to vector<16xi32>
            %gather3A_233 = tpu.dynamic_gather %min3A_220[%gather3A_232] in [0] : vector<16xi32>, vector<16xi32> -> vector<16xi32>
            %min3A_234 = arith.minsi %min3A_220, %gather3A_233 : vector<16xi32>
            %slice3A_235 = vector.extract_strided_slice %min3A_234 {offsets = [0], sizes = [1], strides = [1]} : vector<16xi32> to vector<1xi32>
            %squeeze3A_236 = vector.extract %slice3A_235[0] : i32 from vector<1xi32>
            %shift_right_arithmetic3A = arith.constant 10 : i32
            %shift_right_arithmetic3A_237 = arith.shrsi %squeeze3A_236, %shift_right_arithmetic3A : i32
            %and3A = arith.constant 1023 : i32
            %and3A_238 = arith.andi %squeeze3A_236, %and3A : i32
            %and3A_239 = arith.constant 255 : i32
            %and3A_240 = arith.andi %scan3A_39, %and3A_239 : i32
            %broadcast_in_dim3A_241 = vector.broadcast %and3A_240 : i32 to vector<16xi32>
            %broadcast_in_dim3A_242 = vector.broadcast %and3A_238 : i32 to vector<16xi32>
            tpu.vector_store_idx %arg9[%broadcast_in_dim3A_241], %broadcast_in_dim3A_242 masked %eq3A_18 : memref<256xi32, #tpu.memory_space<vmem>>[vector<16xi32>], vector<16xi32>, vector<16xi1>
            %broadcast_in_dim3A_243 = vector.broadcast %shift_right_arithmetic3A_237 : i32 to vector<16xi32>
            %broadcast_in_dim3A_244 = vector.broadcast %squeeze3A : i32 to vector<16xi32>
            tpu.vector_store_idx %arg7[%broadcast_in_dim3A_243], %broadcast_in_dim3A_244 masked %eq3A_18 : memref<64xi32, #tpu.memory_space<vmem>>[vector<16xi32>], vector<16xi32>, vector<16xi1>
            %broadcast_in_dim3A_245 = vector.broadcast %shift_right_arithmetic3A_237 : i32 to vector<16xi32>
            %broadcast_in_dim3A_246 = vector.broadcast %scan3A_37 : i32 to vector<16xi32>
            tpu.vector_store_idx %arg8[%broadcast_in_dim3A_245], %broadcast_in_dim3A_246 masked %eq3A_18 : memref<64xi32, #tpu.memory_space<vmem>>[vector<16xi32>], vector<16xi32>, vector<16xi1>
            %add3A_247 = arith.constant 1 : i32
            %add3A_248 = arith.addi %scan3A_39, %add3A_247 : i32
            scf.yield %scan3A_38, %add3A_248 : i32, i32
          } else {
            %broadcast_in_dim3A_51 = vector.broadcast %scan3A_38 : i32 to vector<16xi32>
            %broadcast_in_dim3A_52 = vector.broadcast %squeeze3A : i32 to vector<16xi32>
            tpu.vector_store_idx %arg7[%broadcast_in_dim3A_51], %broadcast_in_dim3A_52 masked %eq3A_18 : memref<64xi32, #tpu.memory_space<vmem>>[vector<16xi32>], vector<16xi32>, vector<16xi1>
            %broadcast_in_dim3A_53 = vector.broadcast %scan3A_38 : i32 to vector<16xi32>
            %broadcast_in_dim3A_54 = vector.broadcast %scan3A_37 : i32 to vector<16xi32>
            tpu.vector_store_idx %arg8[%broadcast_in_dim3A_53], %broadcast_in_dim3A_54 masked %eq3A_18 : memref<64xi32, #tpu.memory_space<vmem>>[vector<16xi32>], vector<16xi32>, vector<16xi1>
            %add3A_55 = arith.constant 1 : i32
            %add3A_56 = arith.addi %scan3A_38, %add3A_55 : i32
            scf.yield %add3A_56, %scan3A_39 : i32, i32
          }
          scf.yield %cond3A_50#0, %cond3A_50#1 : i32, i32
        } else {
          scf.yield %scan3A_38, %scan3A_39 : i32, i32
        }
        scf.yield %cond3A_45#0, %cond3A_45#1 : i32, i32
      }
      %scan3A_25 = arith.constant 509 : i32
      %broadcast_in_dim3A_26 = vector.broadcast %scan3A_24#0 : i32 to vector<16xi32>
      %eq3A_27 = arith.constant 1 : i32
      %eq3A_28 = vector.broadcast %eq3A_27 : i32 to vector<16xi32>
      %eq3A_29 = arith.cmpi eq, %iota3A, %eq3A_28 : vector<16xi32>
      %min3A = arith.constant 256 : i32
      %min3A_30 = arith.minsi %scan3A_24#1, %min3A : i32
      %broadcast_in_dim3A_31 = vector.broadcast %min3A_30 : i32 to vector<16xi32>
      %broadcast_in_dim3A_32 = arith.constant 0 : i32
      %broadcast_in_dim3A_33 = vector.broadcast %broadcast_in_dim3A_32 : i32 to vector<16xi32>
      %select_n3A = arith.select %eq3A_29, %broadcast_in_dim3A_31, %broadcast_in_dim3A_33 : vector<16xi1>, vector<16xi32>
      %select_n3A_34 = arith.select %eq3A_18, %broadcast_in_dim3A_26, %select_n3A : vector<16xi1>, vector<16xi32>
      %swap3A_35 = arith.constant 0 : index
      %swap3A_36 = tpu.vector_load %arg10[%swap3A_35] {strides = array<i32>} : memref<16xi32, #tpu.memory_space<vmem>>, vector<16xi32>,
      tpu.vector_store %arg10[%swap3A_35], %select_n3A_34 {strides = array<i32>} : memref<16xi32, #tpu.memory_space<vmem>>, vector<16xi32>,
      "tpu.region"() ({
        %run_scoped3A = tpu.sem_alloc : memref<!tpu.dma_semaphore, #tpu.memory_space<semaphore_mem>>
        %dma_start3A = arith.constant 0 : i32
        %dma_start3A_37 = tpu.memref_slice %arg3[%add3A, %dma_start3A] : memref<8x64xi32, #tpu.memory_space<hbm>> -> memref<1x64xi32, #tpu.memory_space<hbm>>
        %dma_start3A_38 = tpu.memref_squeeze %dma_start3A_37 : memref<1x64xi32, #tpu.memory_space<hbm>> -> memref<64xi32, #tpu.memory_space<hbm>>
        %dma_start3A_39 = arith.constant 0 : i32
        %dma_start3A_40 = tpu.memref_slice %arg3[%add3A, %dma_start3A_39] : memref<8x64xi32, #tpu.memory_space<hbm>> -> memref<1x64xi32, #tpu.memory_space<hbm>>
        %dma_start3A_41 = tpu.memref_squeeze %dma_start3A_40 : memref<1x64xi32, #tpu.memory_space<hbm>> -> memref<64xi32, #tpu.memory_space<hbm>>
        tpu.enqueue_dma source(%arg8 : memref<64xi32, #tpu.memory_space<vmem>>) target(%dma_start3A_41 : memref<64xi32, #tpu.memory_space<hbm>>) target_semaphore(%run_scoped3A : memref<!tpu.dma_semaphore, #tpu.memory_space<semaphore_mem>>)
        %dma_wait3A = arith.constant 0 : i32
        %dma_wait3A_42 = tpu.memref_slice %arg3[%add3A, %dma_wait3A] : memref<8x64xi32, #tpu.memory_space<hbm>> -> memref<1x64xi32, #tpu.memory_space<hbm>>
        %dma_wait3A_43 = tpu.memref_squeeze %dma_wait3A_42 : memref<1x64xi32, #tpu.memory_space<hbm>> -> memref<64xi32, #tpu.memory_space<hbm>>
        %dma_wait3A_44 = arith.constant 0 : i32
        %dma_wait3A_45 = tpu.memref_slice %arg3[%add3A, %dma_wait3A_44] : memref<8x64xi32, #tpu.memory_space<hbm>> -> memref<1x64xi32, #tpu.memory_space<hbm>>
        %dma_wait3A_46 = tpu.memref_squeeze %dma_wait3A_45 : memref<1x64xi32, #tpu.memory_space<hbm>> -> memref<64xi32, #tpu.memory_space<hbm>>
        tpu.wait_dma2 semaphore(%run_scoped3A : memref<!tpu.dma_semaphore, #tpu.memory_space<semaphore_mem>>) src(%arg8 : memref<64xi32, #tpu.memory_space<vmem>>) dst(%dma_wait3A_46 : memref<64xi32, #tpu.memory_space<hbm>>)
        tpu.yield
      }) : () -> ()
      "tpu.region"() ({
        %run_scoped3A = tpu.sem_alloc : memref<!tpu.dma_semaphore, #tpu.memory_space<semaphore_mem>>
        %dma_start3A = arith.constant 0 : i32
        %dma_start3A_37 = tpu.memref_slice %arg4[%add3A, %dma_start3A] : memref<8x256xi32, #tpu.memory_space<hbm>> -> memref<1x256xi32, #tpu.memory_space<hbm>>
        %dma_start3A_38 = tpu.memref_squeeze %dma_start3A_37 : memref<1x256xi32, #tpu.memory_space<hbm>> -> memref<256xi32, #tpu.memory_space<hbm>>
        %dma_start3A_39 = arith.constant 0 : i32
        %dma_start3A_40 = tpu.memref_slice %arg4[%add3A, %dma_start3A_39] : memref<8x256xi32, #tpu.memory_space<hbm>> -> memref<1x256xi32, #tpu.memory_space<hbm>>
        %dma_start3A_41 = tpu.memref_squeeze %dma_start3A_40 : memref<1x256xi32, #tpu.memory_space<hbm>> -> memref<256xi32, #tpu.memory_space<hbm>>
        tpu.enqueue_dma source(%arg9 : memref<256xi32, #tpu.memory_space<vmem>>) target(%dma_start3A_41 : memref<256xi32, #tpu.memory_space<hbm>>) target_semaphore(%run_scoped3A : memref<!tpu.dma_semaphore, #tpu.memory_space<semaphore_mem>>)
        %dma_wait3A = arith.constant 0 : i32
        %dma_wait3A_42 = tpu.memref_slice %arg4[%add3A, %dma_wait3A] : memref<8x256xi32, #tpu.memory_space<hbm>> -> memref<1x256xi32, #tpu.memory_space<hbm>>
        %dma_wait3A_43 = tpu.memref_squeeze %dma_wait3A_42 : memref<1x256xi32, #tpu.memory_space<hbm>> -> memref<256xi32, #tpu.memory_space<hbm>>
        %dma_wait3A_44 = arith.constant 0 : i32
        %dma_wait3A_45 = tpu.memref_slice %arg4[%add3A, %dma_wait3A_44] : memref<8x256xi32, #tpu.memory_space<hbm>> -> memref<1x256xi32, #tpu.memory_space<hbm>>
        %dma_wait3A_46 = tpu.memref_squeeze %dma_wait3A_45 : memref<1x256xi32, #tpu.memory_space<hbm>> -> memref<256xi32, #tpu.memory_space<hbm>>
        tpu.wait_dma2 semaphore(%run_scoped3A : memref<!tpu.dma_semaphore, #tpu.memory_space<semaphore_mem>>) src(%arg9 : memref<256xi32, #tpu.memory_space<vmem>>) dst(%dma_wait3A_46 : memref<256xi32, #tpu.memory_space<hbm>>)
        tpu.yield
      }) : () -> ()
      "tpu.region"() ({
        %run_scoped3A = tpu.sem_alloc : memref<!tpu.dma_semaphore, #tpu.memory_space<semaphore_mem>>
        %dma_start3A = arith.constant 0 : i32
        %dma_start3A_37 = tpu.memref_slice %arg5[%add3A, %dma_start3A] : memref<8x16xi32, #tpu.memory_space<hbm>> -> memref<1x16xi32, #tpu.memory_space<hbm>>
        %dma_start3A_38 = tpu.memref_squeeze %dma_start3A_37 : memref<1x16xi32, #tpu.memory_space<hbm>> -> memref<16xi32, #tpu.memory_space<hbm>>
        %dma_start3A_39 = arith.constant 0 : i32
        %dma_start3A_40 = tpu.memref_slice %arg5[%add3A, %dma_start3A_39] : memref<8x16xi32, #tpu.memory_space<hbm>> -> memref<1x16xi32, #tpu.memory_space<hbm>>
        %dma_start3A_41 = tpu.memref_squeeze %dma_start3A_40 : memref<1x16xi32, #tpu.memory_space<hbm>> -> memref<16xi32, #tpu.memory_space<hbm>>
        tpu.enqueue_dma source(%arg10 : memref<16xi32, #tpu.memory_space<vmem>>) target(%dma_start3A_41 : memref<16xi32, #tpu.memory_space<hbm>>) target_semaphore(%run_scoped3A : memref<!tpu.dma_semaphore, #tpu.memory_space<semaphore_mem>>)
        %dma_wait3A = arith.constant 0 : i32
        %dma_wait3A_42 = tpu.memref_slice %arg5[%add3A, %dma_wait3A] : memref<8x16xi32, #tpu.memory_space<hbm>> -> memref<1x16xi32, #tpu.memory_space<hbm>>
        %dma_wait3A_43 = tpu.memref_squeeze %dma_wait3A_42 : memref<1x16xi32, #tpu.memory_space<hbm>> -> memref<16xi32, #tpu.memory_space<hbm>>
        %dma_wait3A_44 = arith.constant 0 : i32
        %dma_wait3A_45 = tpu.memref_slice %arg5[%add3A, %dma_wait3A_44] : memref<8x16xi32, #tpu.memory_space<hbm>> -> memref<1x16xi32, #tpu.memory_space<hbm>>
        %dma_wait3A_46 = tpu.memref_squeeze %dma_wait3A_45 : memref<1x16xi32, #tpu.memory_space<hbm>> -> memref<16xi32, #tpu.memory_space<hbm>>
        tpu.wait_dma2 semaphore(%run_scoped3A : memref<!tpu.dma_semaphore, #tpu.memory_space<semaphore_mem>>) src(%arg10 : memref<16xi32, #tpu.memory_space<vmem>>) dst(%dma_wait3A_46 : memref<16xi32, #tpu.memory_space<hbm>>)
        tpu.yield
      }) : () -> ()
    } else {
    }
    return
  }
}

module attributes {stable_mosaic.version = 14 : i64} {
  func.func @_proj_body(%arg0: memref<8x512x512xf32, #tpu.memory_space<vmem>>, %arg1: memref<1x512xf32, #tpu.memory_space<vmem>>, %arg2: memref<1x512xf32, #tpu.memory_space<vmem>>, %arg3: memref<1x1xf32, #tpu.memory_space<smem>>, %arg4: memref<1x1xf32, #tpu.memory_space<smem>>, %arg5: memref<512x512xf32, #tpu.memory_space<vmem>>, %arg6: memref<1x512xf32, #tpu.memory_space<vmem>>, %arg7: memref<512x8xi32, #tpu.memory_space<vmem>>, %arg8: memref<512x8xf32, #tpu.memory_space<vmem>>) attributes {dimension_semantics = [], scalar_prefetch = 0 : i64, scratch_operands = 0 : i64, tpu.core_type = #tpu.core_type<tc>} {
    %get3A = arith.constant 0 : index
    %get3A_0 = arith.constant 0 : index
    %get3A_1 = memref.load %arg3[%get3A, %get3A_0] : memref<1x1xf32, #tpu.memory_space<smem>>
    %get3A_2 = arith.constant 0 : index
    %get3A_3 = arith.constant 0 : index
    %get3A_4 = memref.load %arg4[%get3A_2, %get3A_3] : memref<1x1xf32, #tpu.memory_space<smem>>
    %get3A_5 = arith.constant 0 : index
    %get3A_6 = arith.constant 0 : index
    %get3A_7 = vector.load %arg1[%get3A_5, %get3A_6] : memref<1x512xf32, #tpu.memory_space<vmem>>, vector<1x512xf32>
    %broadcast_in_dim3A = vector.shape_cast %get3A_7 : vector<1x512xf32> to vector<1x512xf32>
    %broadcast_in_dim3A_8 = vector.broadcast %broadcast_in_dim3A : vector<1x512xf32> to vector<16x512xf32>
    %get3A_9 = arith.constant 0 : index
    %get3A_10 = arith.constant 0 : index
    %get3A_11 = vector.load %arg2[%get3A_9, %get3A_10] : memref<1x512xf32, #tpu.memory_space<vmem>>, vector<1x512xf32>
    %broadcast_in_dim3A_12 = vector.shape_cast %get3A_11 : vector<1x512xf32> to vector<1x512xf32>
    %broadcast_in_dim3A_13 = vector.broadcast %broadcast_in_dim3A_12 : vector<1x512xf32> to vector<16x512xf32>
    %iota3A = tpu.iota {dimensions = array<i32: 0>} : vector<16x512xi32>
    %broadcast_in_dim3A_14 = arith.constant 0.000000e+00 : f32
    %broadcast_in_dim3A_15 = vector.broadcast %broadcast_in_dim3A_14 : f32 to vector<512x16xf32>
    %eq3A = arith.constant 0 : i32
    %eq3A_16 = vector.broadcast %eq3A : i32 to vector<16x512xi32>
    %eq3A_17 = arith.cmpi eq, %iota3A, %eq3A_16 : vector<16x512xi32>
    %jit3A = arith.constant 0.000000e+00 : f32
    %broadcast_in_dim3A_18 = vector.broadcast %jit3A : f32 to vector<16x512xf32>
    %select_n3A = arith.select %eq3A_17, %broadcast_in_dim3A_8, %broadcast_in_dim3A_18 : vector<16x512xi1>, vector<16x512xf32>
    %eq3A_19 = arith.constant 8 : i32
    %eq3A_20 = vector.broadcast %eq3A_19 : i32 to vector<16x512xi32>
    %eq3A_21 = arith.cmpi eq, %iota3A, %eq3A_20 : vector<16x512xi32>
    %jit3A_22 = arith.constant 0.000000e+00 : f32
    %broadcast_in_dim3A_23 = vector.broadcast %jit3A_22 : f32 to vector<16x512xf32>
    %select_n3A_24 = arith.select %eq3A_21, %broadcast_in_dim3A_13, %broadcast_in_dim3A_23 : vector<16x512xi1>, vector<16x512xf32>
    %add3A = arith.addf %select_n3A, %select_n3A_24 : vector<16x512xf32>
    %get3A_25 = arith.constant 0 : index
    %get3A_26 = arith.constant 0 : index
    %get3A_27 = arith.constant 0 : index
    %get3A_28 = vector.load %arg0[%get3A_25, %get3A_26, %get3A_27] : memref<8x512x512xf32, #tpu.memory_space<vmem>>, vector<1x512x512xf32>
    %get3A_29 = vector.shape_cast %get3A_28 : vector<1x512x512xf32> to vector<512x512xf32>
    %dot_general3A = arith.constant dense<0.000000e+00> : vector<512x16xf32>
    %dot_general3A_30 = tpu.matmul %get3A_29, %add3A, %dot_general3A {dimension_numbers = #tpu.dot_dimension_numbers<[1], [1], [0], [0], [0, 0, 1, 0], [], []>, precision = #tpu.contract_precision<fp32>, transpose_lhs_hint = false} : vector<512x512xf32>, vector<16x512xf32>, vector<512x16xf32> -> vector<512x16xf32>
    %add3A_31 = arith.addf %broadcast_in_dim3A_15, %dot_general3A_30 : vector<512x16xf32>
    %eq3A_32 = arith.constant 1 : i32
    %eq3A_33 = vector.broadcast %eq3A_32 : i32 to vector<16x512xi32>
    %eq3A_34 = arith.cmpi eq, %iota3A, %eq3A_33 : vector<16x512xi32>
    %jit3A_35 = arith.constant 0.000000e+00 : f32
    %broadcast_in_dim3A_36 = vector.broadcast %jit3A_35 : f32 to vector<16x512xf32>
    %select_n3A_37 = arith.select %eq3A_34, %broadcast_in_dim3A_8, %broadcast_in_dim3A_36 : vector<16x512xi1>, vector<16x512xf32>
    %eq3A_38 = arith.constant 9 : i32
    %eq3A_39 = vector.broadcast %eq3A_38 : i32 to vector<16x512xi32>
    %eq3A_40 = arith.cmpi eq, %iota3A, %eq3A_39 : vector<16x512xi32>
    %jit3A_41 = arith.constant 0.000000e+00 : f32
    %broadcast_in_dim3A_42 = vector.broadcast %jit3A_41 : f32 to vector<16x512xf32>
    %select_n3A_43 = arith.select %eq3A_40, %broadcast_in_dim3A_13, %broadcast_in_dim3A_42 : vector<16x512xi1>, vector<16x512xf32>
    %add3A_44 = arith.addf %select_n3A_37, %select_n3A_43 : vector<16x512xf32>
    %get3A_45 = arith.constant 1 : index
    %get3A_46 = arith.constant 0 : index
    %get3A_47 = arith.constant 0 : index
    %get3A_48 = vector.load %arg0[%get3A_45, %get3A_46, %get3A_47] : memref<8x512x512xf32, #tpu.memory_space<vmem>>, vector<1x512x512xf32>
    %get3A_49 = vector.shape_cast %get3A_48 : vector<1x512x512xf32> to vector<512x512xf32>
    %dot_general3A_50 = arith.constant dense<0.000000e+00> : vector<512x16xf32>
    %dot_general3A_51 = tpu.matmul %get3A_49, %add3A_44, %dot_general3A_50 {dimension_numbers = #tpu.dot_dimension_numbers<[1], [1], [0], [0], [0, 0, 1, 0], [], []>, precision = #tpu.contract_precision<fp32>, transpose_lhs_hint = false} : vector<512x512xf32>, vector<16x512xf32>, vector<512x16xf32> -> vector<512x16xf32>
    %add3A_52 = arith.addf %add3A_31, %dot_general3A_51 : vector<512x16xf32>
    %eq3A_53 = arith.constant 2 : i32
    %eq3A_54 = vector.broadcast %eq3A_53 : i32 to vector<16x512xi32>
    %eq3A_55 = arith.cmpi eq, %iota3A, %eq3A_54 : vector<16x512xi32>
    %jit3A_56 = arith.constant 0.000000e+00 : f32
    %broadcast_in_dim3A_57 = vector.broadcast %jit3A_56 : f32 to vector<16x512xf32>
    %select_n3A_58 = arith.select %eq3A_55, %broadcast_in_dim3A_8, %broadcast_in_dim3A_57 : vector<16x512xi1>, vector<16x512xf32>
    %eq3A_59 = arith.constant 10 : i32
    %eq3A_60 = vector.broadcast %eq3A_59 : i32 to vector<16x512xi32>
    %eq3A_61 = arith.cmpi eq, %iota3A, %eq3A_60 : vector<16x512xi32>
    %jit3A_62 = arith.constant 0.000000e+00 : f32
    %broadcast_in_dim3A_63 = vector.broadcast %jit3A_62 : f32 to vector<16x512xf32>
    %select_n3A_64 = arith.select %eq3A_61, %broadcast_in_dim3A_13, %broadcast_in_dim3A_63 : vector<16x512xi1>, vector<16x512xf32>
    %add3A_65 = arith.addf %select_n3A_58, %select_n3A_64 : vector<16x512xf32>
    %get3A_66 = arith.constant 2 : index
    %get3A_67 = arith.constant 0 : index
    %get3A_68 = arith.constant 0 : index
    %get3A_69 = vector.load %arg0[%get3A_66, %get3A_67, %get3A_68] : memref<8x512x512xf32, #tpu.memory_space<vmem>>, vector<1x512x512xf32>
    %get3A_70 = vector.shape_cast %get3A_69 : vector<1x512x512xf32> to vector<512x512xf32>
    %dot_general3A_71 = arith.constant dense<0.000000e+00> : vector<512x16xf32>
    %dot_general3A_72 = tpu.matmul %get3A_70, %add3A_65, %dot_general3A_71 {dimension_numbers = #tpu.dot_dimension_numbers<[1], [1], [0], [0], [0, 0, 1, 0], [], []>, precision = #tpu.contract_precision<fp32>, transpose_lhs_hint = false} : vector<512x512xf32>, vector<16x512xf32>, vector<512x16xf32> -> vector<512x16xf32>
    %add3A_73 = arith.addf %add3A_52, %dot_general3A_72 : vector<512x16xf32>
    %eq3A_74 = arith.constant 3 : i32
    %eq3A_75 = vector.broadcast %eq3A_74 : i32 to vector<16x512xi32>
    %eq3A_76 = arith.cmpi eq, %iota3A, %eq3A_75 : vector<16x512xi32>
    %jit3A_77 = arith.constant 0.000000e+00 : f32
    %broadcast_in_dim3A_78 = vector.broadcast %jit3A_77 : f32 to vector<16x512xf32>
    %select_n3A_79 = arith.select %eq3A_76, %broadcast_in_dim3A_8, %broadcast_in_dim3A_78 : vector<16x512xi1>, vector<16x512xf32>
    %eq3A_80 = arith.constant 11 : i32
    %eq3A_81 = vector.broadcast %eq3A_80 : i32 to vector<16x512xi32>
    %eq3A_82 = arith.cmpi eq, %iota3A, %eq3A_81 : vector<16x512xi32>
    %jit3A_83 = arith.constant 0.000000e+00 : f32
    %broadcast_in_dim3A_84 = vector.broadcast %jit3A_83 : f32 to vector<16x512xf32>
    %select_n3A_85 = arith.select %eq3A_82, %broadcast_in_dim3A_13, %broadcast_in_dim3A_84 : vector<16x512xi1>, vector<16x512xf32>
    %add3A_86 = arith.addf %select_n3A_79, %select_n3A_85 : vector<16x512xf32>
    %get3A_87 = arith.constant 3 : index
    %get3A_88 = arith.constant 0 : index
    %get3A_89 = arith.constant 0 : index
    %get3A_90 = vector.load %arg0[%get3A_87, %get3A_88, %get3A_89] : memref<8x512x512xf32, #tpu.memory_space<vmem>>, vector<1x512x512xf32>
    %get3A_91 = vector.shape_cast %get3A_90 : vector<1x512x512xf32> to vector<512x512xf32>
    %dot_general3A_92 = arith.constant dense<0.000000e+00> : vector<512x16xf32>
    %dot_general3A_93 = tpu.matmul %get3A_91, %add3A_86, %dot_general3A_92 {dimension_numbers = #tpu.dot_dimension_numbers<[1], [1], [0], [0], [0, 0, 1, 0], [], []>, precision = #tpu.contract_precision<fp32>, transpose_lhs_hint = false} : vector<512x512xf32>, vector<16x512xf32>, vector<512x16xf32> -> vector<512x16xf32>
    %add3A_94 = arith.addf %add3A_73, %dot_general3A_93 : vector<512x16xf32>
    %eq3A_95 = arith.constant 4 : i32
    %eq3A_96 = vector.broadcast %eq3A_95 : i32 to vector<16x512xi32>
    %eq3A_97 = arith.cmpi eq, %iota3A, %eq3A_96 : vector<16x512xi32>
    %jit3A_98 = arith.constant 0.000000e+00 : f32
    %broadcast_in_dim3A_99 = vector.broadcast %jit3A_98 : f32 to vector<16x512xf32>
    %select_n3A_100 = arith.select %eq3A_97, %broadcast_in_dim3A_8, %broadcast_in_dim3A_99 : vector<16x512xi1>, vector<16x512xf32>
    %eq3A_101 = arith.constant 12 : i32
    %eq3A_102 = vector.broadcast %eq3A_101 : i32 to vector<16x512xi32>
    %eq3A_103 = arith.cmpi eq, %iota3A, %eq3A_102 : vector<16x512xi32>
    %jit3A_104 = arith.constant 0.000000e+00 : f32
    %broadcast_in_dim3A_105 = vector.broadcast %jit3A_104 : f32 to vector<16x512xf32>
    %select_n3A_106 = arith.select %eq3A_103, %broadcast_in_dim3A_13, %broadcast_in_dim3A_105 : vector<16x512xi1>, vector<16x512xf32>
    %add3A_107 = arith.addf %select_n3A_100, %select_n3A_106 : vector<16x512xf32>
    %get3A_108 = arith.constant 4 : index
    %get3A_109 = arith.constant 0 : index
    %get3A_110 = arith.constant 0 : index
    %get3A_111 = vector.load %arg0[%get3A_108, %get3A_109, %get3A_110] : memref<8x512x512xf32, #tpu.memory_space<vmem>>, vector<1x512x512xf32>
    %get3A_112 = vector.shape_cast %get3A_111 : vector<1x512x512xf32> to vector<512x512xf32>
    %dot_general3A_113 = arith.constant dense<0.000000e+00> : vector<512x16xf32>
    %dot_general3A_114 = tpu.matmul %get3A_112, %add3A_107, %dot_general3A_113 {dimension_numbers = #tpu.dot_dimension_numbers<[1], [1], [0], [0], [0, 0, 1, 0], [], []>, precision = #tpu.contract_precision<fp32>, transpose_lhs_hint = false} : vector<512x512xf32>, vector<16x512xf32>, vector<512x16xf32> -> vector<512x16xf32>
    %add3A_115 = arith.addf %add3A_94, %dot_general3A_114 : vector<512x16xf32>
    %eq3A_116 = arith.constant 5 : i32
    %eq3A_117 = vector.broadcast %eq3A_116 : i32 to vector<16x512xi32>
    %eq3A_118 = arith.cmpi eq, %iota3A, %eq3A_117 : vector<16x512xi32>
    %jit3A_119 = arith.constant 0.000000e+00 : f32
    %broadcast_in_dim3A_120 = vector.broadcast %jit3A_119 : f32 to vector<16x512xf32>
    %select_n3A_121 = arith.select %eq3A_118, %broadcast_in_dim3A_8, %broadcast_in_dim3A_120 : vector<16x512xi1>, vector<16x512xf32>
    %eq3A_122 = arith.constant 13 : i32
    %eq3A_123 = vector.broadcast %eq3A_122 : i32 to vector<16x512xi32>
    %eq3A_124 = arith.cmpi eq, %iota3A, %eq3A_123 : vector<16x512xi32>
    %jit3A_125 = arith.constant 0.000000e+00 : f32
    %broadcast_in_dim3A_126 = vector.broadcast %jit3A_125 : f32 to vector<16x512xf32>
    %select_n3A_127 = arith.select %eq3A_124, %broadcast_in_dim3A_13, %broadcast_in_dim3A_126 : vector<16x512xi1>, vector<16x512xf32>
    %add3A_128 = arith.addf %select_n3A_121, %select_n3A_127 : vector<16x512xf32>
    %get3A_129 = arith.constant 5 : index
    %get3A_130 = arith.constant 0 : index
    %get3A_131 = arith.constant 0 : index
    %get3A_132 = vector.load %arg0[%get3A_129, %get3A_130, %get3A_131] : memref<8x512x512xf32, #tpu.memory_space<vmem>>, vector<1x512x512xf32>
    %get3A_133 = vector.shape_cast %get3A_132 : vector<1x512x512xf32> to vector<512x512xf32>
    %dot_general3A_134 = arith.constant dense<0.000000e+00> : vector<512x16xf32>
    %dot_general3A_135 = tpu.matmul %get3A_133, %add3A_128, %dot_general3A_134 {dimension_numbers = #tpu.dot_dimension_numbers<[1], [1], [0], [0], [0, 0, 1, 0], [], []>, precision = #tpu.contract_precision<fp32>, transpose_lhs_hint = false} : vector<512x512xf32>, vector<16x512xf32>, vector<512x16xf32> -> vector<512x16xf32>
    %add3A_136 = arith.addf %add3A_115, %dot_general3A_135 : vector<512x16xf32>
    %eq3A_137 = arith.constant 6 : i32
    %eq3A_138 = vector.broadcast %eq3A_137 : i32 to vector<16x512xi32>
    %eq3A_139 = arith.cmpi eq, %iota3A, %eq3A_138 : vector<16x512xi32>
    %jit3A_140 = arith.constant 0.000000e+00 : f32
    %broadcast_in_dim3A_141 = vector.broadcast %jit3A_140 : f32 to vector<16x512xf32>
    %select_n3A_142 = arith.select %eq3A_139, %broadcast_in_dim3A_8, %broadcast_in_dim3A_141 : vector<16x512xi1>, vector<16x512xf32>
    %eq3A_143 = arith.constant 14 : i32
    %eq3A_144 = vector.broadcast %eq3A_143 : i32 to vector<16x512xi32>
    %eq3A_145 = arith.cmpi eq, %iota3A, %eq3A_144 : vector<16x512xi32>
    %jit3A_146 = arith.constant 0.000000e+00 : f32
    %broadcast_in_dim3A_147 = vector.broadcast %jit3A_146 : f32 to vector<16x512xf32>
    %select_n3A_148 = arith.select %eq3A_145, %broadcast_in_dim3A_13, %broadcast_in_dim3A_147 : vector<16x512xi1>, vector<16x512xf32>
    %add3A_149 = arith.addf %select_n3A_142, %select_n3A_148 : vector<16x512xf32>
    %get3A_150 = arith.constant 6 : index
    %get3A_151 = arith.constant 0 : index
    %get3A_152 = arith.constant 0 : index
    %get3A_153 = vector.load %arg0[%get3A_150, %get3A_151, %get3A_152] : memref<8x512x512xf32, #tpu.memory_space<vmem>>, vector<1x512x512xf32>
    %get3A_154 = vector.shape_cast %get3A_153 : vector<1x512x512xf32> to vector<512x512xf32>
    %dot_general3A_155 = arith.constant dense<0.000000e+00> : vector<512x16xf32>
    %dot_general3A_156 = tpu.matmul %get3A_154, %add3A_149, %dot_general3A_155 {dimension_numbers = #tpu.dot_dimension_numbers<[1], [1], [0], [0], [0, 0, 1, 0], [], []>, precision = #tpu.contract_precision<fp32>, transpose_lhs_hint = false} : vector<512x512xf32>, vector<16x512xf32>, vector<512x16xf32> -> vector<512x16xf32>
    %add3A_157 = arith.addf %add3A_136, %dot_general3A_156 : vector<512x16xf32>
    %eq3A_158 = arith.constant 7 : i32
    %eq3A_159 = vector.broadcast %eq3A_158 : i32 to vector<16x512xi32>
    %eq3A_160 = arith.cmpi eq, %iota3A, %eq3A_159 : vector<16x512xi32>
    %jit3A_161 = arith.constant 0.000000e+00 : f32
    %broadcast_in_dim3A_162 = vector.broadcast %jit3A_161 : f32 to vector<16x512xf32>
    %select_n3A_163 = arith.select %eq3A_160, %broadcast_in_dim3A_8, %broadcast_in_dim3A_162 : vector<16x512xi1>, vector<16x512xf32>
    %eq3A_164 = arith.constant 15 : i32
    %eq3A_165 = vector.broadcast %eq3A_164 : i32 to vector<16x512xi32>
    %eq3A_166 = arith.cmpi eq, %iota3A, %eq3A_165 : vector<16x512xi32>
    %jit3A_167 = arith.constant 0.000000e+00 : f32
    %broadcast_in_dim3A_168 = vector.broadcast %jit3A_167 : f32 to vector<16x512xf32>
    %select_n3A_169 = arith.select %eq3A_166, %broadcast_in_dim3A_13, %broadcast_in_dim3A_168 : vector<16x512xi1>, vector<16x512xf32>
    %add3A_170 = arith.addf %select_n3A_163, %select_n3A_169 : vector<16x512xf32>
    %get3A_171 = arith.constant 7 : index
    %get3A_172 = arith.constant 0 : index
    %get3A_173 = arith.constant 0 : index
    %get3A_174 = vector.load %arg0[%get3A_171, %get3A_172, %get3A_173] : memref<8x512x512xf32, #tpu.memory_space<vmem>>, vector<1x512x512xf32>
    %get3A_175 = vector.shape_cast %get3A_174 : vector<1x512x512xf32> to vector<512x512xf32>
    %dot_general3A_176 = arith.constant dense<0.000000e+00> : vector<512x16xf32>
    %dot_general3A_177 = tpu.matmul %get3A_175, %add3A_170, %dot_general3A_176 {dimension_numbers = #tpu.dot_dimension_numbers<[1], [1], [0], [0], [0, 0, 1, 0], [], []>, precision = #tpu.contract_precision<fp32>, transpose_lhs_hint = false} : vector<512x512xf32>, vector<16x512xf32>, vector<512x16xf32> -> vector<512x16xf32>
    %add3A_178 = arith.addf %add3A_157, %dot_general3A_177 : vector<512x16xf32>
    %slice3A = vector.extract_strided_slice %add3A_178 {offsets = [0, 0], sizes = [512, 8], strides = [1, 1]} : vector<512x16xf32> to vector<512x8xf32>
    %add3A_179 = vector.broadcast %get3A_1 : f32 to vector<512x8xf32>
    %add3A_180 = arith.addf %slice3A, %add3A_179 : vector<512x8xf32>
    %neg3A = arith.constant 0.000000e+00 : f32
    %neg3A_181 = vector.broadcast %neg3A : f32 to vector<512x8xf32>
    %neg3A_182 = arith.subf %neg3A_181, %add3A_180 : vector<512x8xf32>
    %exp3A = math.exp %neg3A_182 : vector<512x8xf32>
    %add3A_183 = arith.constant 1.000000e+00 : f32
    %add3A_184 = vector.broadcast %add3A_183 : f32 to vector<512x8xf32>
    %add3A_185 = arith.addf %add3A_184, %exp3A : vector<512x8xf32>
    %div3A = arith.constant 1.000000e+00 : f32
    %div3A_186 = vector.broadcast %div3A : f32 to vector<512x8xf32>
    %div3A_187 = arith.divf %div3A_186, %add3A_185 : vector<512x8xf32>
    %slice3A_188 = vector.extract_strided_slice %add3A_178 {offsets = [0, 8], sizes = [512, 8], strides = [1, 1]} : vector<512x16xf32> to vector<512x8xf32>
    %add3A_189 = vector.broadcast %get3A_4 : f32 to vector<512x8xf32>
    %add3A_190 = arith.addf %slice3A_188, %add3A_189 : vector<512x8xf32>
    %bitcast_convert_type3A = tpu.bitcast %add3A_190 : vector<512x8xf32> -> vector<512x8xi32>
    %lt3A = arith.constant 0 : i32
    %lt3A_191 = vector.broadcast %lt3A : i32 to vector<512x8xi32>
    %lt3A_192 = arith.cmpi slt, %bitcast_convert_type3A, %lt3A_191 : vector<512x8xi32>
    %not3A = arith.constant dense<-1> : vector<512x8xi32>
    %not3A_193 = arith.xori %bitcast_convert_type3A, %not3A : vector<512x8xi32>
    %xor3A = arith.constant -2147483648 : i32
    %xor3A_194 = vector.broadcast %xor3A : i32 to vector<512x8xi32>
    %xor3A_195 = arith.xori %not3A_193, %xor3A_194 : vector<512x8xi32>
    %select_n3A_196 = arith.select %lt3A_192, %xor3A_195, %bitcast_convert_type3A : vector<512x8xi1>, vector<512x8xi32>
    %lt3A_197 = arith.constant 4.000000e-01 : f32
    %lt3A_198 = vector.broadcast %lt3A_197 : f32 to vector<512x8xf32>
    %lt3A_199 = arith.cmpf olt, %div3A_187, %lt3A_198 : vector<512x8xf32>
    %not3A_200 = arith.constant dense<true> : vector<512x8xi1>
    %not3A_201 = arith.xori %lt3A_199, %not3A_200 : vector<512x8xi1>
    %jit3A_202 = arith.constant 2147483647 : i32
    %broadcast_in_dim3A_203 = vector.broadcast %jit3A_202 : i32 to vector<512x8xi32>
    %select_n3A_204 = arith.select %not3A_201, %select_n3A_196, %broadcast_in_dim3A_203 : vector<512x8xi1>, vector<512x8xi32>
    %swap3A = arith.constant 0 : index
    %swap3A_205 = arith.constant 0 : index
    %swap3A_206 = vector.load %arg7[%swap3A, %swap3A_205] : memref<512x8xi32, #tpu.memory_space<vmem>>, vector<512x8xi32>
    tpu.vector_store %arg7[%swap3A, %swap3A_205], %select_n3A_204 {strides = array<i32>} : memref<512x8xi32, #tpu.memory_space<vmem>>, vector<512x8xi32>,
    %get3A_207 = arith.constant 0 : index
    %get3A_208 = arith.constant 511 : index
    %get3A_209 = arith.constant 0 : index
    %get3A_210 = vector.load %arg0[%get3A_207, %get3A_208, %get3A_209] : memref<8x512x512xf32, #tpu.memory_space<vmem>>, vector<8x1x512xf32>
    %get3A_211 = vector.shape_cast %get3A_210 : vector<8x1x512xf32> to vector<8x512xf32>
    %get3A_212 = arith.constant 0 : index
    %get3A_213 = arith.constant 0 : index
    %get3A_214 = vector.load %arg5[%get3A_212, %get3A_213] : memref<512x512xf32, #tpu.memory_space<vmem>>, vector<512x512xf32>
    %dot_general3A_215 = arith.constant dense<0.000000e+00> : vector<8x512xf32>
    %dot_general3A_216 = tpu.matmul %get3A_211, %get3A_214, %dot_general3A_215 {dimension_numbers = #tpu.dot_dimension_numbers<[1], [1], [0], [0], [0, 0, 1, 0], [], []>, transpose_lhs_hint = false} : vector<8x512xf32>, vector<512x512xf32>, vector<8x512xf32> -> vector<8x512xf32>
    %get3A_217 = arith.constant 0 : index
    %get3A_218 = arith.constant 0 : index
    %get3A_219 = vector.load %arg6[%get3A_217, %get3A_218] : memref<1x512xf32, #tpu.memory_space<vmem>>, vector<1x512xf32>
    %add3A_220 = vector.broadcast %get3A_219 : vector<1x512xf32> to vector<8x512xf32>
    %add3A_221 = arith.addf %dot_general3A_216, %add3A_220 : vector<8x512xf32>
    %iota3A_222 = tpu.iota {dimensions = array<i32: 0>} : vector<8x512xi32>
    %broadcast_in_dim3A_223 = arith.constant 0.000000e+00 : f32
    %broadcast_in_dim3A_224 = vector.broadcast %broadcast_in_dim3A_223 : f32 to vector<512x8xf32>
    %eq3A_225 = arith.constant 0 : i32
    %eq3A_226 = vector.broadcast %eq3A_225 : i32 to vector<8x512xi32>
    %eq3A_227 = arith.cmpi eq, %iota3A_222, %eq3A_226 : vector<8x512xi32>
    %slice3A_228 = vector.extract_strided_slice %add3A_221 {offsets = [0, 0], sizes = [1, 512], strides = [1, 1]} : vector<8x512xf32> to vector<1x512xf32>
    %broadcast_in_dim3A_229 = vector.shape_cast %slice3A_228 : vector<1x512xf32> to vector<1x512xf32>
    %broadcast_in_dim3A_230 = vector.broadcast %broadcast_in_dim3A_229 : vector<1x512xf32> to vector<8x512xf32>
    %jit3A_231 = arith.constant 0.000000e+00 : f32
    %broadcast_in_dim3A_232 = vector.broadcast %jit3A_231 : f32 to vector<8x512xf32>
    %select_n3A_233 = arith.select %eq3A_227, %broadcast_in_dim3A_230, %broadcast_in_dim3A_232 : vector<8x512xi1>, vector<8x512xf32>
    %get3A_234 = arith.constant 0 : index
    %get3A_235 = arith.constant 0 : index
    %get3A_236 = arith.constant 0 : index
    %get3A_237 = vector.load %arg0[%get3A_234, %get3A_235, %get3A_236] : memref<8x512x512xf32, #tpu.memory_space<vmem>>, vector<1x512x512xf32>
    %get3A_238 = vector.shape_cast %get3A_237 : vector<1x512x512xf32> to vector<512x512xf32>
    %dot_general3A_239 = arith.constant dense<0.000000e+00> : vector<512x8xf32>
    %dot_general3A_240 = tpu.matmul %get3A_238, %select_n3A_233, %dot_general3A_239 {dimension_numbers = #tpu.dot_dimension_numbers<[1], [1], [0], [0], [0, 0, 1, 0], [], []>, transpose_lhs_hint = false} : vector<512x512xf32>, vector<8x512xf32>, vector<512x8xf32> -> vector<512x8xf32>
    %add3A_241 = arith.addf %broadcast_in_dim3A_224, %dot_general3A_240 : vector<512x8xf32>
    %eq3A_242 = arith.constant 1 : i32
    %eq3A_243 = vector.broadcast %eq3A_242 : i32 to vector<8x512xi32>
    %eq3A_244 = arith.cmpi eq, %iota3A_222, %eq3A_243 : vector<8x512xi32>
    %slice3A_245 = vector.extract_strided_slice %add3A_221 {offsets = [1, 0], sizes = [1, 512], strides = [1, 1]} : vector<8x512xf32> to vector<1x512xf32>
    %broadcast_in_dim3A_246 = vector.shape_cast %slice3A_245 : vector<1x512xf32> to vector<1x512xf32>
    %broadcast_in_dim3A_247 = vector.broadcast %broadcast_in_dim3A_246 : vector<1x512xf32> to vector<8x512xf32>
    %jit3A_248 = arith.constant 0.000000e+00 : f32
    %broadcast_in_dim3A_249 = vector.broadcast %jit3A_248 : f32 to vector<8x512xf32>
    %select_n3A_250 = arith.select %eq3A_244, %broadcast_in_dim3A_247, %broadcast_in_dim3A_249 : vector<8x512xi1>, vector<8x512xf32>
    %get3A_251 = arith.constant 1 : index
    %get3A_252 = arith.constant 0 : index
    %get3A_253 = arith.constant 0 : index
    %get3A_254 = vector.load %arg0[%get3A_251, %get3A_252, %get3A_253] : memref<8x512x512xf32, #tpu.memory_space<vmem>>, vector<1x512x512xf32>
    %get3A_255 = vector.shape_cast %get3A_254 : vector<1x512x512xf32> to vector<512x512xf32>
    %dot_general3A_256 = arith.constant dense<0.000000e+00> : vector<512x8xf32>
    %dot_general3A_257 = tpu.matmul %get3A_255, %select_n3A_250, %dot_general3A_256 {dimension_numbers = #tpu.dot_dimension_numbers<[1], [1], [0], [0], [0, 0, 1, 0], [], []>, transpose_lhs_hint = false} : vector<512x512xf32>, vector<8x512xf32>, vector<512x8xf32> -> vector<512x8xf32>
    %add3A_258 = arith.addf %add3A_241, %dot_general3A_257 : vector<512x8xf32>
    %eq3A_259 = arith.constant 2 : i32
    %eq3A_260 = vector.broadcast %eq3A_259 : i32 to vector<8x512xi32>
    %eq3A_261 = arith.cmpi eq, %iota3A_222, %eq3A_260 : vector<8x512xi32>
    %slice3A_262 = vector.extract_strided_slice %add3A_221 {offsets = [2, 0], sizes = [1, 512], strides = [1, 1]} : vector<8x512xf32> to vector<1x512xf32>
    %broadcast_in_dim3A_263 = vector.shape_cast %slice3A_262 : vector<1x512xf32> to vector<1x512xf32>
    %broadcast_in_dim3A_264 = vector.broadcast %broadcast_in_dim3A_263 : vector<1x512xf32> to vector<8x512xf32>
    %jit3A_265 = arith.constant 0.000000e+00 : f32
    %broadcast_in_dim3A_266 = vector.broadcast %jit3A_265 : f32 to vector<8x512xf32>
    %select_n3A_267 = arith.select %eq3A_261, %broadcast_in_dim3A_264, %broadcast_in_dim3A_266 : vector<8x512xi1>, vector<8x512xf32>
    %get3A_268 = arith.constant 2 : index
    %get3A_269 = arith.constant 0 : index
    %get3A_270 = arith.constant 0 : index
    %get3A_271 = vector.load %arg0[%get3A_268, %get3A_269, %get3A_270] : memref<8x512x512xf32, #tpu.memory_space<vmem>>, vector<1x512x512xf32>
    %get3A_272 = vector.shape_cast %get3A_271 : vector<1x512x512xf32> to vector<512x512xf32>
    %dot_general3A_273 = arith.constant dense<0.000000e+00> : vector<512x8xf32>
    %dot_general3A_274 = tpu.matmul %get3A_272, %select_n3A_267, %dot_general3A_273 {dimension_numbers = #tpu.dot_dimension_numbers<[1], [1], [0], [0], [0, 0, 1, 0], [], []>, transpose_lhs_hint = false} : vector<512x512xf32>, vector<8x512xf32>, vector<512x8xf32> -> vector<512x8xf32>
    %add3A_275 = arith.addf %add3A_258, %dot_general3A_274 : vector<512x8xf32>
    %eq3A_276 = arith.constant 3 : i32
    %eq3A_277 = vector.broadcast %eq3A_276 : i32 to vector<8x512xi32>
    %eq3A_278 = arith.cmpi eq, %iota3A_222, %eq3A_277 : vector<8x512xi32>
    %slice3A_279 = vector.extract_strided_slice %add3A_221 {offsets = [3, 0], sizes = [1, 512], strides = [1, 1]} : vector<8x512xf32> to vector<1x512xf32>
    %broadcast_in_dim3A_280 = vector.shape_cast %slice3A_279 : vector<1x512xf32> to vector<1x512xf32>
    %broadcast_in_dim3A_281 = vector.broadcast %broadcast_in_dim3A_280 : vector<1x512xf32> to vector<8x512xf32>
    %jit3A_282 = arith.constant 0.000000e+00 : f32
    %broadcast_in_dim3A_283 = vector.broadcast %jit3A_282 : f32 to vector<8x512xf32>
    %select_n3A_284 = arith.select %eq3A_278, %broadcast_in_dim3A_281, %broadcast_in_dim3A_283 : vector<8x512xi1>, vector<8x512xf32>
    %get3A_285 = arith.constant 3 : index
    %get3A_286 = arith.constant 0 : index
    %get3A_287 = arith.constant 0 : index
    %get3A_288 = vector.load %arg0[%get3A_285, %get3A_286, %get3A_287] : memref<8x512x512xf32, #tpu.memory_space<vmem>>, vector<1x512x512xf32>
    %get3A_289 = vector.shape_cast %get3A_288 : vector<1x512x512xf32> to vector<512x512xf32>
    %dot_general3A_290 = arith.constant dense<0.000000e+00> : vector<512x8xf32>
    %dot_general3A_291 = tpu.matmul %get3A_289, %select_n3A_284, %dot_general3A_290 {dimension_numbers = #tpu.dot_dimension_numbers<[1], [1], [0], [0], [0, 0, 1, 0], [], []>, transpose_lhs_hint = false} : vector<512x512xf32>, vector<8x512xf32>, vector<512x8xf32> -> vector<512x8xf32>
    %add3A_292 = arith.addf %add3A_275, %dot_general3A_291 : vector<512x8xf32>
    %eq3A_293 = arith.constant 4 : i32
    %eq3A_294 = vector.broadcast %eq3A_293 : i32 to vector<8x512xi32>
    %eq3A_295 = arith.cmpi eq, %iota3A_222, %eq3A_294 : vector<8x512xi32>
    %slice3A_296 = vector.extract_strided_slice %add3A_221 {offsets = [4, 0], sizes = [1, 512], strides = [1, 1]} : vector<8x512xf32> to vector<1x512xf32>
    %broadcast_in_dim3A_297 = vector.shape_cast %slice3A_296 : vector<1x512xf32> to vector<1x512xf32>
    %broadcast_in_dim3A_298 = vector.broadcast %broadcast_in_dim3A_297 : vector<1x512xf32> to vector<8x512xf32>
    %jit3A_299 = arith.constant 0.000000e+00 : f32
    %broadcast_in_dim3A_300 = vector.broadcast %jit3A_299 : f32 to vector<8x512xf32>
    %select_n3A_301 = arith.select %eq3A_295, %broadcast_in_dim3A_298, %broadcast_in_dim3A_300 : vector<8x512xi1>, vector<8x512xf32>
    %get3A_302 = arith.constant 4 : index
    %get3A_303 = arith.constant 0 : index
    %get3A_304 = arith.constant 0 : index
    %get3A_305 = vector.load %arg0[%get3A_302, %get3A_303, %get3A_304] : memref<8x512x512xf32, #tpu.memory_space<vmem>>, vector<1x512x512xf32>
    %get3A_306 = vector.shape_cast %get3A_305 : vector<1x512x512xf32> to vector<512x512xf32>
    %dot_general3A_307 = arith.constant dense<0.000000e+00> : vector<512x8xf32>
    %dot_general3A_308 = tpu.matmul %get3A_306, %select_n3A_301, %dot_general3A_307 {dimension_numbers = #tpu.dot_dimension_numbers<[1], [1], [0], [0], [0, 0, 1, 0], [], []>, transpose_lhs_hint = false} : vector<512x512xf32>, vector<8x512xf32>, vector<512x8xf32> -> vector<512x8xf32>
    %add3A_309 = arith.addf %add3A_292, %dot_general3A_308 : vector<512x8xf32>
    %eq3A_310 = arith.constant 5 : i32
    %eq3A_311 = vector.broadcast %eq3A_310 : i32 to vector<8x512xi32>
    %eq3A_312 = arith.cmpi eq, %iota3A_222, %eq3A_311 : vector<8x512xi32>
    %slice3A_313 = vector.extract_strided_slice %add3A_221 {offsets = [5, 0], sizes = [1, 512], strides = [1, 1]} : vector<8x512xf32> to vector<1x512xf32>
    %broadcast_in_dim3A_314 = vector.shape_cast %slice3A_313 : vector<1x512xf32> to vector<1x512xf32>
    %broadcast_in_dim3A_315 = vector.broadcast %broadcast_in_dim3A_314 : vector<1x512xf32> to vector<8x512xf32>
    %jit3A_316 = arith.constant 0.000000e+00 : f32
    %broadcast_in_dim3A_317 = vector.broadcast %jit3A_316 : f32 to vector<8x512xf32>
    %select_n3A_318 = arith.select %eq3A_312, %broadcast_in_dim3A_315, %broadcast_in_dim3A_317 : vector<8x512xi1>, vector<8x512xf32>
    %get3A_319 = arith.constant 5 : index
    %get3A_320 = arith.constant 0 : index
    %get3A_321 = arith.constant 0 : index
    %get3A_322 = vector.load %arg0[%get3A_319, %get3A_320, %get3A_321] : memref<8x512x512xf32, #tpu.memory_space<vmem>>, vector<1x512x512xf32>
    %get3A_323 = vector.shape_cast %get3A_322 : vector<1x512x512xf32> to vector<512x512xf32>
    %dot_general3A_324 = arith.constant dense<0.000000e+00> : vector<512x8xf32>
    %dot_general3A_325 = tpu.matmul %get3A_323, %select_n3A_318, %dot_general3A_324 {dimension_numbers = #tpu.dot_dimension_numbers<[1], [1], [0], [0], [0, 0, 1, 0], [], []>, transpose_lhs_hint = false} : vector<512x512xf32>, vector<8x512xf32>, vector<512x8xf32> -> vector<512x8xf32>
    %add3A_326 = arith.addf %add3A_309, %dot_general3A_325 : vector<512x8xf32>
    %eq3A_327 = arith.constant 6 : i32
    %eq3A_328 = vector.broadcast %eq3A_327 : i32 to vector<8x512xi32>
    %eq3A_329 = arith.cmpi eq, %iota3A_222, %eq3A_328 : vector<8x512xi32>
    %slice3A_330 = vector.extract_strided_slice %add3A_221 {offsets = [6, 0], sizes = [1, 512], strides = [1, 1]} : vector<8x512xf32> to vector<1x512xf32>
    %broadcast_in_dim3A_331 = vector.shape_cast %slice3A_330 : vector<1x512xf32> to vector<1x512xf32>
    %broadcast_in_dim3A_332 = vector.broadcast %broadcast_in_dim3A_331 : vector<1x512xf32> to vector<8x512xf32>
    %jit3A_333 = arith.constant 0.000000e+00 : f32
    %broadcast_in_dim3A_334 = vector.broadcast %jit3A_333 : f32 to vector<8x512xf32>
    %select_n3A_335 = arith.select %eq3A_329, %broadcast_in_dim3A_332, %broadcast_in_dim3A_334 : vector<8x512xi1>, vector<8x512xf32>
    %get3A_336 = arith.constant 6 : index
    %get3A_337 = arith.constant 0 : index
    %get3A_338 = arith.constant 0 : index
    %get3A_339 = vector.load %arg0[%get3A_336, %get3A_337, %get3A_338] : memref<8x512x512xf32, #tpu.memory_space<vmem>>, vector<1x512x512xf32>
    %get3A_340 = vector.shape_cast %get3A_339 : vector<1x512x512xf32> to vector<512x512xf32>
    %dot_general3A_341 = arith.constant dense<0.000000e+00> : vector<512x8xf32>
    %dot_general3A_342 = tpu.matmul %get3A_340, %select_n3A_335, %dot_general3A_341 {dimension_numbers = #tpu.dot_dimension_numbers<[1], [1], [0], [0], [0, 0, 1, 0], [], []>, transpose_lhs_hint = false} : vector<512x512xf32>, vector<8x512xf32>, vector<512x8xf32> -> vector<512x8xf32>
    %add3A_343 = arith.addf %add3A_326, %dot_general3A_342 : vector<512x8xf32>
    %eq3A_344 = arith.constant 7 : i32
    %eq3A_345 = vector.broadcast %eq3A_344 : i32 to vector<8x512xi32>
    %eq3A_346 = arith.cmpi eq, %iota3A_222, %eq3A_345 : vector<8x512xi32>
    %slice3A_347 = vector.extract_strided_slice %add3A_221 {offsets = [7, 0], sizes = [1, 512], strides = [1, 1]} : vector<8x512xf32> to vector<1x512xf32>
    %broadcast_in_dim3A_348 = vector.shape_cast %slice3A_347 : vector<1x512xf32> to vector<1x512xf32>
    %broadcast_in_dim3A_349 = vector.broadcast %broadcast_in_dim3A_348 : vector<1x512xf32> to vector<8x512xf32>
    %jit3A_350 = arith.constant 0.000000e+00 : f32
    %broadcast_in_dim3A_351 = vector.broadcast %jit3A_350 : f32 to vector<8x512xf32>
    %select_n3A_352 = arith.select %eq3A_346, %broadcast_in_dim3A_349, %broadcast_in_dim3A_351 : vector<8x512xi1>, vector<8x512xf32>
    %get3A_353 = arith.constant 7 : index
    %get3A_354 = arith.constant 0 : index
    %get3A_355 = arith.constant 0 : index
    %get3A_356 = vector.load %arg0[%get3A_353, %get3A_354, %get3A_355] : memref<8x512x512xf32, #tpu.memory_space<vmem>>, vector<1x512x512xf32>
    %get3A_357 = vector.shape_cast %get3A_356 : vector<1x512x512xf32> to vector<512x512xf32>
    %dot_general3A_358 = arith.constant dense<0.000000e+00> : vector<512x8xf32>
    %dot_general3A_359 = tpu.matmul %get3A_357, %select_n3A_352, %dot_general3A_358 {dimension_numbers = #tpu.dot_dimension_numbers<[1], [1], [0], [0], [0, 0, 1, 0], [], []>, transpose_lhs_hint = false} : vector<512x512xf32>, vector<8x512xf32>, vector<512x8xf32> -> vector<512x8xf32>
    %add3A_360 = arith.addf %add3A_343, %dot_general3A_359 : vector<512x8xf32>
    %swap3A_361 = arith.constant 0 : index
    %swap3A_362 = arith.constant 0 : index
    %swap3A_363 = vector.load %arg8[%swap3A_361, %swap3A_362] : memref<512x8xf32, #tpu.memory_space<vmem>>, vector<512x8xf32>
    tpu.vector_store %arg8[%swap3A_361, %swap3A_362], %add3A_360 {strides = array<i32>} : memref<512x8xf32, #tpu.memory_space<vmem>>, vector<512x8xf32>,
    return
  }
}

module attributes {stable_mosaic.version = 14 : i64} {
  func.func @_attn_body(%arg0: memref<8x512x512xf32, #tpu.memory_space<vmem>>, %arg1: memref<512x8xf32, #tpu.memory_space<vmem>>, %arg2: memref<8x64xi32, #tpu.memory_space<vmem>>, %arg3: memref<8x256xi32, #tpu.memory_space<vmem>>, %arg4: memref<8x16xi32, #tpu.memory_space<vmem>>, %arg5: memref<64x512xf32, #tpu.memory_space<vmem>>, %arg6: memref<1x64xf32, #tpu.memory_space<vmem>>, %arg7: memref<8x64xf32, #tpu.memory_space<vmem>>, %arg8: memref<8x256xf32, #tpu.memory_space<vmem>>) attributes {dimension_semantics = [], scalar_prefetch = 0 : i64, scratch_operands = 0 : i64, tpu.core_type = #tpu.core_type<tc>} {
    %get3A = arith.constant 0 : index
    %get3A_0 = arith.constant 0 : index
    %get3A_1 = vector.load %arg4[%get3A, %get3A_0] : memref<8x16xi32, #tpu.memory_space<vmem>>, vector<8x1xi32>
    %get3A_2 = arith.constant 0 : index
    %get3A_3 = arith.constant 1 : index
    %get3A_4 = vector.load %arg4[%get3A_2, %get3A_3] : memref<8x16xi32, #tpu.memory_space<vmem>>, vector<8x1xi32>
    %get3A_5 = arith.constant 0 : index
    %get3A_6 = arith.constant 0 : index
    %get3A_7 = vector.load %arg2[%get3A_5, %get3A_6] : memref<8x64xi32, #tpu.memory_space<vmem>>, vector<8x64xi32>
    %get3A_8 = arith.constant 0 : index
    %get3A_9 = arith.constant 0 : index
    %get3A_10 = vector.load %arg3[%get3A_8, %get3A_9] : memref<8x256xi32, #tpu.memory_space<vmem>>, vector<8x256xi32>
    %concatenate3A = tpu.concatenate %get3A_7, %get3A_10 in 1 : vector<8x64xi32>, vector<8x256xi32> -> vector<8x320xi32>
    %iota3A = tpu.iota {dimensions = array<i32: 1>} : vector<8x320xi32>
    %lt3A = arith.constant 64 : i32
    %lt3A_11 = vector.broadcast %lt3A : i32 to vector<8x320xi32>
    %lt3A_12 = arith.cmpi slt, %iota3A, %lt3A_11 : vector<8x320xi32>
    %lt3A_13 = vector.broadcast %get3A_1 : vector<8x1xi32> to vector<8x320xi32>
    %lt3A_14 = arith.cmpi slt, %iota3A, %lt3A_13 : vector<8x320xi32>
    %and3A = arith.andi %lt3A_12, %lt3A_14 : vector<8x320xi1>
    %ge3A = arith.constant 64 : i32
    %ge3A_15 = vector.broadcast %ge3A : i32 to vector<8x320xi32>
    %ge3A_16 = arith.cmpi sge, %iota3A, %ge3A_15 : vector<8x320xi32>
    %sub3A = arith.constant 64 : i32
    %sub3A_17 = vector.broadcast %sub3A : i32 to vector<8x320xi32>
    %sub3A_18 = arith.subi %iota3A, %sub3A_17 : vector<8x320xi32>
    %lt3A_19 = vector.broadcast %get3A_4 : vector<8x1xi32> to vector<8x320xi32>
    %lt3A_20 = arith.cmpi slt, %sub3A_18, %lt3A_19 : vector<8x320xi32>
    %and3A_21 = arith.andi %ge3A_16, %lt3A_20 : vector<8x320xi1>
    %or3A = arith.ori %and3A, %and3A_21 : vector<8x320xi1>
    %get3A_22 = arith.constant 0 : index
    %get3A_23 = arith.constant 0 : index
    %get3A_24 = vector.load %arg1[%get3A_22, %get3A_23] : memref<512x8xf32, #tpu.memory_space<vmem>>, vector<512x8xf32>
    %iota3A_25 = tpu.iota {dimensions = array<i32: 0>} : vector<8x320xi32>
    %iota3A_26 = tpu.iota {dimensions = array<i32: 0>} : vector<512x320xi32>
    %broadcast_in_dim3A = arith.constant 0.000000e+00 : f32
    %broadcast_in_dim3A_27 = vector.broadcast %broadcast_in_dim3A : f32 to vector<8x320xf32>
    %slice3A = vector.extract_strided_slice %concatenate3A {offsets = [0, 0], sizes = [1, 320], strides = [1, 1]} : vector<8x320xi32> to vector<1x320xi32>
    %broadcast_in_dim3A_28 = vector.shape_cast %slice3A : vector<1x320xi32> to vector<1x320xi32>
    %broadcast_in_dim3A_29 = vector.broadcast %broadcast_in_dim3A_28 : vector<1x320xi32> to vector<512x320xi32>
    %eq3A = arith.cmpi eq, %iota3A_26, %broadcast_in_dim3A_29 : vector<512x320xi32>
    %convert_element_type3A = arith.extui %eq3A : vector<512x320xi1> to vector<512x320xi32>
    %convert_element_type3A_30 = arith.sitofp %convert_element_type3A : vector<512x320xi32> to vector<512x320xf32>
    %dot_general3A = arith.constant dense<0.000000e+00> : vector<8x320xf32>
    %dot_general3A_31 = tpu.matmul %get3A_24, %convert_element_type3A_30, %dot_general3A {dimension_numbers = #tpu.dot_dimension_numbers<[0], [0], [1], [1], [0, 1, 1, 1], [], []>, precision = #tpu.contract_precision<fp32>, transpose_lhs_hint = false} : vector<512x8xf32>, vector<512x320xf32>, vector<8x320xf32> -> vector<8x320xf32>
    %eq3A_32 = arith.constant 0 : i32
    %eq3A_33 = vector.broadcast %eq3A_32 : i32 to vector<8x320xi32>
    %eq3A_34 = arith.cmpi eq, %iota3A_25, %eq3A_33 : vector<8x320xi32>
    %jit3A = arith.constant 0.000000e+00 : f32
    %broadcast_in_dim3A_35 = vector.broadcast %jit3A : f32 to vector<8x320xf32>
    %select_n3A = arith.select %eq3A_34, %dot_general3A_31, %broadcast_in_dim3A_35 : vector<8x320xi1>, vector<8x320xf32>
    %add3A = arith.addf %broadcast_in_dim3A_27, %select_n3A : vector<8x320xf32>
    %slice3A_36 = vector.extract_strided_slice %concatenate3A {offsets = [1, 0], sizes = [1, 320], strides = [1, 1]} : vector<8x320xi32> to vector<1x320xi32>
    %broadcast_in_dim3A_37 = vector.shape_cast %slice3A_36 : vector<1x320xi32> to vector<1x320xi32>
    %broadcast_in_dim3A_38 = vector.broadcast %broadcast_in_dim3A_37 : vector<1x320xi32> to vector<512x320xi32>
    %eq3A_39 = arith.cmpi eq, %iota3A_26, %broadcast_in_dim3A_38 : vector<512x320xi32>
    %convert_element_type3A_40 = arith.extui %eq3A_39 : vector<512x320xi1> to vector<512x320xi32>
    %convert_element_type3A_41 = arith.sitofp %convert_element_type3A_40 : vector<512x320xi32> to vector<512x320xf32>
    %dot_general3A_42 = arith.constant dense<0.000000e+00> : vector<8x320xf32>
    %dot_general3A_43 = tpu.matmul %get3A_24, %convert_element_type3A_41, %dot_general3A_42 {dimension_numbers = #tpu.dot_dimension_numbers<[0], [0], [1], [1], [0, 1, 1, 1], [], []>, precision = #tpu.contract_precision<fp32>, transpose_lhs_hint = false} : vector<512x8xf32>, vector<512x320xf32>, vector<8x320xf32> -> vector<8x320xf32>
    %eq3A_44 = arith.constant 1 : i32
    %eq3A_45 = vector.broadcast %eq3A_44 : i32 to vector<8x320xi32>
    %eq3A_46 = arith.cmpi eq, %iota3A_25, %eq3A_45 : vector<8x320xi32>
    %jit3A_47 = arith.constant 0.000000e+00 : f32
    %broadcast_in_dim3A_48 = vector.broadcast %jit3A_47 : f32 to vector<8x320xf32>
    %select_n3A_49 = arith.select %eq3A_46, %dot_general3A_43, %broadcast_in_dim3A_48 : vector<8x320xi1>, vector<8x320xf32>
    %add3A_50 = arith.addf %add3A, %select_n3A_49 : vector<8x320xf32>
    %slice3A_51 = vector.extract_strided_slice %concatenate3A {offsets = [2, 0], sizes = [1, 320], strides = [1, 1]} : vector<8x320xi32> to vector<1x320xi32>
    %broadcast_in_dim3A_52 = vector.shape_cast %slice3A_51 : vector<1x320xi32> to vector<1x320xi32>
    %broadcast_in_dim3A_53 = vector.broadcast %broadcast_in_dim3A_52 : vector<1x320xi32> to vector<512x320xi32>
    %eq3A_54 = arith.cmpi eq, %iota3A_26, %broadcast_in_dim3A_53 : vector<512x320xi32>
    %convert_element_type3A_55 = arith.extui %eq3A_54 : vector<512x320xi1> to vector<512x320xi32>
    %convert_element_type3A_56 = arith.sitofp %convert_element_type3A_55 : vector<512x320xi32> to vector<512x320xf32>
    %dot_general3A_57 = arith.constant dense<0.000000e+00> : vector<8x320xf32>
    %dot_general3A_58 = tpu.matmul %get3A_24, %convert_element_type3A_56, %dot_general3A_57 {dimension_numbers = #tpu.dot_dimension_numbers<[0], [0], [1], [1], [0, 1, 1, 1], [], []>, precision = #tpu.contract_precision<fp32>, transpose_lhs_hint = false} : vector<512x8xf32>, vector<512x320xf32>, vector<8x320xf32> -> vector<8x320xf32>
    %eq3A_59 = arith.constant 2 : i32
    %eq3A_60 = vector.broadcast %eq3A_59 : i32 to vector<8x320xi32>
    %eq3A_61 = arith.cmpi eq, %iota3A_25, %eq3A_60 : vector<8x320xi32>
    %jit3A_62 = arith.constant 0.000000e+00 : f32
    %broadcast_in_dim3A_63 = vector.broadcast %jit3A_62 : f32 to vector<8x320xf32>
    %select_n3A_64 = arith.select %eq3A_61, %dot_general3A_58, %broadcast_in_dim3A_63 : vector<8x320xi1>, vector<8x320xf32>
    %add3A_65 = arith.addf %add3A_50, %select_n3A_64 : vector<8x320xf32>
    %slice3A_66 = vector.extract_strided_slice %concatenate3A {offsets = [3, 0], sizes = [1, 320], strides = [1, 1]} : vector<8x320xi32> to vector<1x320xi32>
    %broadcast_in_dim3A_67 = vector.shape_cast %slice3A_66 : vector<1x320xi32> to vector<1x320xi32>
    %broadcast_in_dim3A_68 = vector.broadcast %broadcast_in_dim3A_67 : vector<1x320xi32> to vector<512x320xi32>
    %eq3A_69 = arith.cmpi eq, %iota3A_26, %broadcast_in_dim3A_68 : vector<512x320xi32>
    %convert_element_type3A_70 = arith.extui %eq3A_69 : vector<512x320xi1> to vector<512x320xi32>
    %convert_element_type3A_71 = arith.sitofp %convert_element_type3A_70 : vector<512x320xi32> to vector<512x320xf32>
    %dot_general3A_72 = arith.constant dense<0.000000e+00> : vector<8x320xf32>
    %dot_general3A_73 = tpu.matmul %get3A_24, %convert_element_type3A_71, %dot_general3A_72 {dimension_numbers = #tpu.dot_dimension_numbers<[0], [0], [1], [1], [0, 1, 1, 1], [], []>, precision = #tpu.contract_precision<fp32>, transpose_lhs_hint = false} : vector<512x8xf32>, vector<512x320xf32>, vector<8x320xf32> -> vector<8x320xf32>
    %eq3A_74 = arith.constant 3 : i32
    %eq3A_75 = vector.broadcast %eq3A_74 : i32 to vector<8x320xi32>
    %eq3A_76 = arith.cmpi eq, %iota3A_25, %eq3A_75 : vector<8x320xi32>
    %jit3A_77 = arith.constant 0.000000e+00 : f32
    %broadcast_in_dim3A_78 = vector.broadcast %jit3A_77 : f32 to vector<8x320xf32>
    %select_n3A_79 = arith.select %eq3A_76, %dot_general3A_73, %broadcast_in_dim3A_78 : vector<8x320xi1>, vector<8x320xf32>
    %add3A_80 = arith.addf %add3A_65, %select_n3A_79 : vector<8x320xf32>
    %slice3A_81 = vector.extract_strided_slice %concatenate3A {offsets = [4, 0], sizes = [1, 320], strides = [1, 1]} : vector<8x320xi32> to vector<1x320xi32>
    %broadcast_in_dim3A_82 = vector.shape_cast %slice3A_81 : vector<1x320xi32> to vector<1x320xi32>
    %broadcast_in_dim3A_83 = vector.broadcast %broadcast_in_dim3A_82 : vector<1x320xi32> to vector<512x320xi32>
    %eq3A_84 = arith.cmpi eq, %iota3A_26, %broadcast_in_dim3A_83 : vector<512x320xi32>
    %convert_element_type3A_85 = arith.extui %eq3A_84 : vector<512x320xi1> to vector<512x320xi32>
    %convert_element_type3A_86 = arith.sitofp %convert_element_type3A_85 : vector<512x320xi32> to vector<512x320xf32>
    %dot_general3A_87 = arith.constant dense<0.000000e+00> : vector<8x320xf32>
    %dot_general3A_88 = tpu.matmul %get3A_24, %convert_element_type3A_86, %dot_general3A_87 {dimension_numbers = #tpu.dot_dimension_numbers<[0], [0], [1], [1], [0, 1, 1, 1], [], []>, precision = #tpu.contract_precision<fp32>, transpose_lhs_hint = false} : vector<512x8xf32>, vector<512x320xf32>, vector<8x320xf32> -> vector<8x320xf32>
    %eq3A_89 = arith.constant 4 : i32
    %eq3A_90 = vector.broadcast %eq3A_89 : i32 to vector<8x320xi32>
    %eq3A_91 = arith.cmpi eq, %iota3A_25, %eq3A_90 : vector<8x320xi32>
    %jit3A_92 = arith.constant 0.000000e+00 : f32
    %broadcast_in_dim3A_93 = vector.broadcast %jit3A_92 : f32 to vector<8x320xf32>
    %select_n3A_94 = arith.select %eq3A_91, %dot_general3A_88, %broadcast_in_dim3A_93 : vector<8x320xi1>, vector<8x320xf32>
    %add3A_95 = arith.addf %add3A_80, %select_n3A_94 : vector<8x320xf32>
    %slice3A_96 = vector.extract_strided_slice %concatenate3A {offsets = [5, 0], sizes = [1, 320], strides = [1, 1]} : vector<8x320xi32> to vector<1x320xi32>
    %broadcast_in_dim3A_97 = vector.shape_cast %slice3A_96 : vector<1x320xi32> to vector<1x320xi32>
    %broadcast_in_dim3A_98 = vector.broadcast %broadcast_in_dim3A_97 : vector<1x320xi32> to vector<512x320xi32>
    %eq3A_99 = arith.cmpi eq, %iota3A_26, %broadcast_in_dim3A_98 : vector<512x320xi32>
    %convert_element_type3A_100 = arith.extui %eq3A_99 : vector<512x320xi1> to vector<512x320xi32>
    %convert_element_type3A_101 = arith.sitofp %convert_element_type3A_100 : vector<512x320xi32> to vector<512x320xf32>
    %dot_general3A_102 = arith.constant dense<0.000000e+00> : vector<8x320xf32>
    %dot_general3A_103 = tpu.matmul %get3A_24, %convert_element_type3A_101, %dot_general3A_102 {dimension_numbers = #tpu.dot_dimension_numbers<[0], [0], [1], [1], [0, 1, 1, 1], [], []>, precision = #tpu.contract_precision<fp32>, transpose_lhs_hint = false} : vector<512x8xf32>, vector<512x320xf32>, vector<8x320xf32> -> vector<8x320xf32>
    %eq3A_104 = arith.constant 5 : i32
    %eq3A_105 = vector.broadcast %eq3A_104 : i32 to vector<8x320xi32>
    %eq3A_106 = arith.cmpi eq, %iota3A_25, %eq3A_105 : vector<8x320xi32>
    %jit3A_107 = arith.constant 0.000000e+00 : f32
    %broadcast_in_dim3A_108 = vector.broadcast %jit3A_107 : f32 to vector<8x320xf32>
    %select_n3A_109 = arith.select %eq3A_106, %dot_general3A_103, %broadcast_in_dim3A_108 : vector<8x320xi1>, vector<8x320xf32>
    %add3A_110 = arith.addf %add3A_95, %select_n3A_109 : vector<8x320xf32>
    %slice3A_111 = vector.extract_strided_slice %concatenate3A {offsets = [6, 0], sizes = [1, 320], strides = [1, 1]} : vector<8x320xi32> to vector<1x320xi32>
    %broadcast_in_dim3A_112 = vector.shape_cast %slice3A_111 : vector<1x320xi32> to vector<1x320xi32>
    %broadcast_in_dim3A_113 = vector.broadcast %broadcast_in_dim3A_112 : vector<1x320xi32> to vector<512x320xi32>
    %eq3A_114 = arith.cmpi eq, %iota3A_26, %broadcast_in_dim3A_113 : vector<512x320xi32>
    %convert_element_type3A_115 = arith.extui %eq3A_114 : vector<512x320xi1> to vector<512x320xi32>
    %convert_element_type3A_116 = arith.sitofp %convert_element_type3A_115 : vector<512x320xi32> to vector<512x320xf32>
    %dot_general3A_117 = arith.constant dense<0.000000e+00> : vector<8x320xf32>
    %dot_general3A_118 = tpu.matmul %get3A_24, %convert_element_type3A_116, %dot_general3A_117 {dimension_numbers = #tpu.dot_dimension_numbers<[0], [0], [1], [1], [0, 1, 1, 1], [], []>, precision = #tpu.contract_precision<fp32>, transpose_lhs_hint = false} : vector<512x8xf32>, vector<512x320xf32>, vector<8x320xf32> -> vector<8x320xf32>
    %eq3A_119 = arith.constant 6 : i32
    %eq3A_120 = vector.broadcast %eq3A_119 : i32 to vector<8x320xi32>
    %eq3A_121 = arith.cmpi eq, %iota3A_25, %eq3A_120 : vector<8x320xi32>
    %jit3A_122 = arith.constant 0.000000e+00 : f32
    %broadcast_in_dim3A_123 = vector.broadcast %jit3A_122 : f32 to vector<8x320xf32>
    %select_n3A_124 = arith.select %eq3A_121, %dot_general3A_118, %broadcast_in_dim3A_123 : vector<8x320xi1>, vector<8x320xf32>
    %add3A_125 = arith.addf %add3A_110, %select_n3A_124 : vector<8x320xf32>
    %slice3A_126 = vector.extract_strided_slice %concatenate3A {offsets = [7, 0], sizes = [1, 320], strides = [1, 1]} : vector<8x320xi32> to vector<1x320xi32>
    %broadcast_in_dim3A_127 = vector.shape_cast %slice3A_126 : vector<1x320xi32> to vector<1x320xi32>
    %broadcast_in_dim3A_128 = vector.broadcast %broadcast_in_dim3A_127 : vector<1x320xi32> to vector<512x320xi32>
    %eq3A_129 = arith.cmpi eq, %iota3A_26, %broadcast_in_dim3A_128 : vector<512x320xi32>
    %convert_element_type3A_130 = arith.extui %eq3A_129 : vector<512x320xi1> to vector<512x320xi32>
    %convert_element_type3A_131 = arith.sitofp %convert_element_type3A_130 : vector<512x320xi32> to vector<512x320xf32>
    %dot_general3A_132 = arith.constant dense<0.000000e+00> : vector<8x320xf32>
    %dot_general3A_133 = tpu.matmul %get3A_24, %convert_element_type3A_131, %dot_general3A_132 {dimension_numbers = #tpu.dot_dimension_numbers<[0], [0], [1], [1], [0, 1, 1, 1], [], []>, precision = #tpu.contract_precision<fp32>, transpose_lhs_hint = false} : vector<512x8xf32>, vector<512x320xf32>, vector<8x320xf32> -> vector<8x320xf32>
    %eq3A_134 = arith.constant 7 : i32
    %eq3A_135 = vector.broadcast %eq3A_134 : i32 to vector<8x320xi32>
    %eq3A_136 = arith.cmpi eq, %iota3A_25, %eq3A_135 : vector<8x320xi32>
    %jit3A_137 = arith.constant 0.000000e+00 : f32
    %broadcast_in_dim3A_138 = vector.broadcast %jit3A_137 : f32 to vector<8x320xf32>
    %select_n3A_139 = arith.select %eq3A_136, %dot_general3A_133, %broadcast_in_dim3A_138 : vector<8x320xi1>, vector<8x320xf32>
    %add3A_140 = arith.addf %add3A_125, %select_n3A_139 : vector<8x320xf32>
    %jit3A_141 = arith.constant -1.000000e+09 : f32
    %broadcast_in_dim3A_142 = vector.broadcast %jit3A_141 : f32 to vector<8x320xf32>
    %select_n3A_143 = arith.select %or3A, %add3A_140, %broadcast_in_dim3A_142 : vector<8x320xi1>, vector<8x320xf32>
    %reduce_max3A = arith.constant dense<0xFF800000> : vector<8xf32>
    %reduce_max3A_144 = vector.multi_reduction <maximumf>, %select_n3A_143, %reduce_max3A [1] : vector<8x320xf32> to vector<8xf32>
    %broadcast_in_dim3A_145 = vector.shape_cast %reduce_max3A_144 : vector<8xf32> to vector<8x1xf32>
    %sub3A_146 = vector.broadcast %broadcast_in_dim3A_145 : vector<8x1xf32> to vector<8x320xf32>
    %sub3A_147 = arith.subf %select_n3A_143, %sub3A_146 : vector<8x320xf32>
    %exp3A = math.exp %sub3A_147 : vector<8x320xf32>
    %reduce_sum3A = arith.constant dense<0.000000e+00> : vector<8xf32>
    %reduce_sum3A_148 = vector.multi_reduction <add>, %exp3A, %reduce_sum3A [1] : vector<8x320xf32> to vector<8xf32>
    %broadcast_in_dim3A_149 = vector.shape_cast %reduce_sum3A_148 : vector<8xf32> to vector<8x1xf32>
    %div3A = vector.broadcast %broadcast_in_dim3A_149 : vector<8x1xf32> to vector<8x320xf32>
    %div3A_150 = arith.divf %exp3A, %div3A : vector<8x320xf32>
    %jit3A_151 = arith.constant 0.000000e+00 : f32
    %broadcast_in_dim3A_152 = vector.broadcast %jit3A_151 : f32 to vector<8x320xf32>
    %select_n3A_153 = arith.select %or3A, %div3A_150, %broadcast_in_dim3A_152 : vector<8x320xi1>, vector<8x320xf32>
    %iota3A_154 = tpu.iota {dimensions = array<i32: 1>} : vector<512x8xi32>
    %broadcast_in_dim3A_155 = arith.constant 0.000000e+00 : f32
    %broadcast_in_dim3A_156 = vector.broadcast %broadcast_in_dim3A_155 : f32 to vector<512x8xf32>
    %slice3A_157 = vector.extract_strided_slice %concatenate3A {offsets = [0, 0], sizes = [1, 320], strides = [1, 1]} : vector<8x320xi32> to vector<1x320xi32>
    %broadcast_in_dim3A_158 = vector.shape_cast %slice3A_157 : vector<1x320xi32> to vector<1x320xi32>
    %broadcast_in_dim3A_159 = vector.broadcast %broadcast_in_dim3A_158 : vector<1x320xi32> to vector<512x320xi32>
    %eq3A_160 = arith.cmpi eq, %iota3A_26, %broadcast_in_dim3A_159 : vector<512x320xi32>
    %convert_element_type3A_161 = arith.extui %eq3A_160 : vector<512x320xi1> to vector<512x320xi32>
    %convert_element_type3A_162 = arith.sitofp %convert_element_type3A_161 : vector<512x320xi32> to vector<512x320xf32>
    %dot_general3A_163 = arith.constant dense<0.000000e+00> : vector<512x8xf32>
    %dot_general3A_164 = tpu.matmul %convert_element_type3A_162, %select_n3A_153, %dot_general3A_163 {dimension_numbers = #tpu.dot_dimension_numbers<[1], [1], [0], [0], [0, 0, 1, 0], [], []>, precision = #tpu.contract_precision<fp32>, transpose_lhs_hint = false} : vector<512x320xf32>, vector<8x320xf32>, vector<512x8xf32> -> vector<512x8xf32>
    %eq3A_165 = arith.constant 0 : i32
    %eq3A_166 = vector.broadcast %eq3A_165 : i32 to vector<512x8xi32>
    %eq3A_167 = arith.cmpi eq, %iota3A_154, %eq3A_166 : vector<512x8xi32>
    %jit3A_168 = arith.constant 0.000000e+00 : f32
    %broadcast_in_dim3A_169 = vector.broadcast %jit3A_168 : f32 to vector<512x8xf32>
    %select_n3A_170 = arith.select %eq3A_167, %dot_general3A_164, %broadcast_in_dim3A_169 : vector<512x8xi1>, vector<512x8xf32>
    %add3A_171 = arith.addf %broadcast_in_dim3A_156, %select_n3A_170 : vector<512x8xf32>
    %slice3A_172 = vector.extract_strided_slice %concatenate3A {offsets = [1, 0], sizes = [1, 320], strides = [1, 1]} : vector<8x320xi32> to vector<1x320xi32>
    %broadcast_in_dim3A_173 = vector.shape_cast %slice3A_172 : vector<1x320xi32> to vector<1x320xi32>
    %broadcast_in_dim3A_174 = vector.broadcast %broadcast_in_dim3A_173 : vector<1x320xi32> to vector<512x320xi32>
    %eq3A_175 = arith.cmpi eq, %iota3A_26, %broadcast_in_dim3A_174 : vector<512x320xi32>
    %convert_element_type3A_176 = arith.extui %eq3A_175 : vector<512x320xi1> to vector<512x320xi32>
    %convert_element_type3A_177 = arith.sitofp %convert_element_type3A_176 : vector<512x320xi32> to vector<512x320xf32>
    %dot_general3A_178 = arith.constant dense<0.000000e+00> : vector<512x8xf32>
    %dot_general3A_179 = tpu.matmul %convert_element_type3A_177, %select_n3A_153, %dot_general3A_178 {dimension_numbers = #tpu.dot_dimension_numbers<[1], [1], [0], [0], [0, 0, 1, 0], [], []>, precision = #tpu.contract_precision<fp32>, transpose_lhs_hint = false} : vector<512x320xf32>, vector<8x320xf32>, vector<512x8xf32> -> vector<512x8xf32>
    %eq3A_180 = arith.constant 1 : i32
    %eq3A_181 = vector.broadcast %eq3A_180 : i32 to vector<512x8xi32>
    %eq3A_182 = arith.cmpi eq, %iota3A_154, %eq3A_181 : vector<512x8xi32>
    %jit3A_183 = arith.constant 0.000000e+00 : f32
    %broadcast_in_dim3A_184 = vector.broadcast %jit3A_183 : f32 to vector<512x8xf32>
    %select_n3A_185 = arith.select %eq3A_182, %dot_general3A_179, %broadcast_in_dim3A_184 : vector<512x8xi1>, vector<512x8xf32>
    %add3A_186 = arith.addf %add3A_171, %select_n3A_185 : vector<512x8xf32>
    %slice3A_187 = vector.extract_strided_slice %concatenate3A {offsets = [2, 0], sizes = [1, 320], strides = [1, 1]} : vector<8x320xi32> to vector<1x320xi32>
    %broadcast_in_dim3A_188 = vector.shape_cast %slice3A_187 : vector<1x320xi32> to vector<1x320xi32>
    %broadcast_in_dim3A_189 = vector.broadcast %broadcast_in_dim3A_188 : vector<1x320xi32> to vector<512x320xi32>
    %eq3A_190 = arith.cmpi eq, %iota3A_26, %broadcast_in_dim3A_189 : vector<512x320xi32>
    %convert_element_type3A_191 = arith.extui %eq3A_190 : vector<512x320xi1> to vector<512x320xi32>
    %convert_element_type3A_192 = arith.sitofp %convert_element_type3A_191 : vector<512x320xi32> to vector<512x320xf32>
    %dot_general3A_193 = arith.constant dense<0.000000e+00> : vector<512x8xf32>
    %dot_general3A_194 = tpu.matmul %convert_element_type3A_192, %select_n3A_153, %dot_general3A_193 {dimension_numbers = #tpu.dot_dimension_numbers<[1], [1], [0], [0], [0, 0, 1, 0], [], []>, precision = #tpu.contract_precision<fp32>, transpose_lhs_hint = false} : vector<512x320xf32>, vector<8x320xf32>, vector<512x8xf32> -> vector<512x8xf32>
    %eq3A_195 = arith.constant 2 : i32
    %eq3A_196 = vector.broadcast %eq3A_195 : i32 to vector<512x8xi32>
    %eq3A_197 = arith.cmpi eq, %iota3A_154, %eq3A_196 : vector<512x8xi32>
    %jit3A_198 = arith.constant 0.000000e+00 : f32
    %broadcast_in_dim3A_199 = vector.broadcast %jit3A_198 : f32 to vector<512x8xf32>
    %select_n3A_200 = arith.select %eq3A_197, %dot_general3A_194, %broadcast_in_dim3A_199 : vector<512x8xi1>, vector<512x8xf32>
    %add3A_201 = arith.addf %add3A_186, %select_n3A_200 : vector<512x8xf32>
    %slice3A_202 = vector.extract_strided_slice %concatenate3A {offsets = [3, 0], sizes = [1, 320], strides = [1, 1]} : vector<8x320xi32> to vector<1x320xi32>
    %broadcast_in_dim3A_203 = vector.shape_cast %slice3A_202 : vector<1x320xi32> to vector<1x320xi32>
    %broadcast_in_dim3A_204 = vector.broadcast %broadcast_in_dim3A_203 : vector<1x320xi32> to vector<512x320xi32>
    %eq3A_205 = arith.cmpi eq, %iota3A_26, %broadcast_in_dim3A_204 : vector<512x320xi32>
    %convert_element_type3A_206 = arith.extui %eq3A_205 : vector<512x320xi1> to vector<512x320xi32>
    %convert_element_type3A_207 = arith.sitofp %convert_element_type3A_206 : vector<512x320xi32> to vector<512x320xf32>
    %dot_general3A_208 = arith.constant dense<0.000000e+00> : vector<512x8xf32>
    %dot_general3A_209 = tpu.matmul %convert_element_type3A_207, %select_n3A_153, %dot_general3A_208 {dimension_numbers = #tpu.dot_dimension_numbers<[1], [1], [0], [0], [0, 0, 1, 0], [], []>, precision = #tpu.contract_precision<fp32>, transpose_lhs_hint = false} : vector<512x320xf32>, vector<8x320xf32>, vector<512x8xf32> -> vector<512x8xf32>
    %eq3A_210 = arith.constant 3 : i32
    %eq3A_211 = vector.broadcast %eq3A_210 : i32 to vector<512x8xi32>
    %eq3A_212 = arith.cmpi eq, %iota3A_154, %eq3A_211 : vector<512x8xi32>
    %jit3A_213 = arith.constant 0.000000e+00 : f32
    %broadcast_in_dim3A_214 = vector.broadcast %jit3A_213 : f32 to vector<512x8xf32>
    %select_n3A_215 = arith.select %eq3A_212, %dot_general3A_209, %broadcast_in_dim3A_214 : vector<512x8xi1>, vector<512x8xf32>
    %add3A_216 = arith.addf %add3A_201, %select_n3A_215 : vector<512x8xf32>
    %slice3A_217 = vector.extract_strided_slice %concatenate3A {offsets = [4, 0], sizes = [1, 320], strides = [1, 1]} : vector<8x320xi32> to vector<1x320xi32>
    %broadcast_in_dim3A_218 = vector.shape_cast %slice3A_217 : vector<1x320xi32> to vector<1x320xi32>
    %broadcast_in_dim3A_219 = vector.broadcast %broadcast_in_dim3A_218 : vector<1x320xi32> to vector<512x320xi32>
    %eq3A_220 = arith.cmpi eq, %iota3A_26, %broadcast_in_dim3A_219 : vector<512x320xi32>
    %convert_element_type3A_221 = arith.extui %eq3A_220 : vector<512x320xi1> to vector<512x320xi32>
    %convert_element_type3A_222 = arith.sitofp %convert_element_type3A_221 : vector<512x320xi32> to vector<512x320xf32>
    %dot_general3A_223 = arith.constant dense<0.000000e+00> : vector<512x8xf32>
    %dot_general3A_224 = tpu.matmul %convert_element_type3A_222, %select_n3A_153, %dot_general3A_223 {dimension_numbers = #tpu.dot_dimension_numbers<[1], [1], [0], [0], [0, 0, 1, 0], [], []>, precision = #tpu.contract_precision<fp32>, transpose_lhs_hint = false} : vector<512x320xf32>, vector<8x320xf32>, vector<512x8xf32> -> vector<512x8xf32>
    %eq3A_225 = arith.constant 4 : i32
    %eq3A_226 = vector.broadcast %eq3A_225 : i32 to vector<512x8xi32>
    %eq3A_227 = arith.cmpi eq, %iota3A_154, %eq3A_226 : vector<512x8xi32>
    %jit3A_228 = arith.constant 0.000000e+00 : f32
    %broadcast_in_dim3A_229 = vector.broadcast %jit3A_228 : f32 to vector<512x8xf32>
    %select_n3A_230 = arith.select %eq3A_227, %dot_general3A_224, %broadcast_in_dim3A_229 : vector<512x8xi1>, vector<512x8xf32>
    %add3A_231 = arith.addf %add3A_216, %select_n3A_230 : vector<512x8xf32>
    %slice3A_232 = vector.extract_strided_slice %concatenate3A {offsets = [5, 0], sizes = [1, 320], strides = [1, 1]} : vector<8x320xi32> to vector<1x320xi32>
    %broadcast_in_dim3A_233 = vector.shape_cast %slice3A_232 : vector<1x320xi32> to vector<1x320xi32>
    %broadcast_in_dim3A_234 = vector.broadcast %broadcast_in_dim3A_233 : vector<1x320xi32> to vector<512x320xi32>
    %eq3A_235 = arith.cmpi eq, %iota3A_26, %broadcast_in_dim3A_234 : vector<512x320xi32>
    %convert_element_type3A_236 = arith.extui %eq3A_235 : vector<512x320xi1> to vector<512x320xi32>
    %convert_element_type3A_237 = arith.sitofp %convert_element_type3A_236 : vector<512x320xi32> to vector<512x320xf32>
    %dot_general3A_238 = arith.constant dense<0.000000e+00> : vector<512x8xf32>
    %dot_general3A_239 = tpu.matmul %convert_element_type3A_237, %select_n3A_153, %dot_general3A_238 {dimension_numbers = #tpu.dot_dimension_numbers<[1], [1], [0], [0], [0, 0, 1, 0], [], []>, precision = #tpu.contract_precision<fp32>, transpose_lhs_hint = false} : vector<512x320xf32>, vector<8x320xf32>, vector<512x8xf32> -> vector<512x8xf32>
    %eq3A_240 = arith.constant 5 : i32
    %eq3A_241 = vector.broadcast %eq3A_240 : i32 to vector<512x8xi32>
    %eq3A_242 = arith.cmpi eq, %iota3A_154, %eq3A_241 : vector<512x8xi32>
    %jit3A_243 = arith.constant 0.000000e+00 : f32
    %broadcast_in_dim3A_244 = vector.broadcast %jit3A_243 : f32 to vector<512x8xf32>
    %select_n3A_245 = arith.select %eq3A_242, %dot_general3A_239, %broadcast_in_dim3A_244 : vector<512x8xi1>, vector<512x8xf32>
    %add3A_246 = arith.addf %add3A_231, %select_n3A_245 : vector<512x8xf32>
    %slice3A_247 = vector.extract_strided_slice %concatenate3A {offsets = [6, 0], sizes = [1, 320], strides = [1, 1]} : vector<8x320xi32> to vector<1x320xi32>
    %broadcast_in_dim3A_248 = vector.shape_cast %slice3A_247 : vector<1x320xi32> to vector<1x320xi32>
    %broadcast_in_dim3A_249 = vector.broadcast %broadcast_in_dim3A_248 : vector<1x320xi32> to vector<512x320xi32>
    %eq3A_250 = arith.cmpi eq, %iota3A_26, %broadcast_in_dim3A_249 : vector<512x320xi32>
    %convert_element_type3A_251 = arith.extui %eq3A_250 : vector<512x320xi1> to vector<512x320xi32>
    %convert_element_type3A_252 = arith.sitofp %convert_element_type3A_251 : vector<512x320xi32> to vector<512x320xf32>
    %dot_general3A_253 = arith.constant dense<0.000000e+00> : vector<512x8xf32>
    %dot_general3A_254 = tpu.matmul %convert_element_type3A_252, %select_n3A_153, %dot_general3A_253 {dimension_numbers = #tpu.dot_dimension_numbers<[1], [1], [0], [0], [0, 0, 1, 0], [], []>, precision = #tpu.contract_precision<fp32>, transpose_lhs_hint = false} : vector<512x320xf32>, vector<8x320xf32>, vector<512x8xf32> -> vector<512x8xf32>
    %eq3A_255 = arith.constant 6 : i32
    %eq3A_256 = vector.broadcast %eq3A_255 : i32 to vector<512x8xi32>
    %eq3A_257 = arith.cmpi eq, %iota3A_154, %eq3A_256 : vector<512x8xi32>
    %jit3A_258 = arith.constant 0.000000e+00 : f32
    %broadcast_in_dim3A_259 = vector.broadcast %jit3A_258 : f32 to vector<512x8xf32>
    %select_n3A_260 = arith.select %eq3A_257, %dot_general3A_254, %broadcast_in_dim3A_259 : vector<512x8xi1>, vector<512x8xf32>
    %add3A_261 = arith.addf %add3A_246, %select_n3A_260 : vector<512x8xf32>
    %slice3A_262 = vector.extract_strided_slice %concatenate3A {offsets = [7, 0], sizes = [1, 320], strides = [1, 1]} : vector<8x320xi32> to vector<1x320xi32>
    %broadcast_in_dim3A_263 = vector.shape_cast %slice3A_262 : vector<1x320xi32> to vector<1x320xi32>
    %broadcast_in_dim3A_264 = vector.broadcast %broadcast_in_dim3A_263 : vector<1x320xi32> to vector<512x320xi32>
    %eq3A_265 = arith.cmpi eq, %iota3A_26, %broadcast_in_dim3A_264 : vector<512x320xi32>
    %convert_element_type3A_266 = arith.extui %eq3A_265 : vector<512x320xi1> to vector<512x320xi32>
    %convert_element_type3A_267 = arith.sitofp %convert_element_type3A_266 : vector<512x320xi32> to vector<512x320xf32>
    %dot_general3A_268 = arith.constant dense<0.000000e+00> : vector<512x8xf32>
    %dot_general3A_269 = tpu.matmul %convert_element_type3A_267, %select_n3A_153, %dot_general3A_268 {dimension_numbers = #tpu.dot_dimension_numbers<[1], [1], [0], [0], [0, 0, 1, 0], [], []>, precision = #tpu.contract_precision<fp32>, transpose_lhs_hint = false} : vector<512x320xf32>, vector<8x320xf32>, vector<512x8xf32> -> vector<512x8xf32>
    %eq3A_270 = arith.constant 7 : i32
    %eq3A_271 = vector.broadcast %eq3A_270 : i32 to vector<512x8xi32>
    %eq3A_272 = arith.cmpi eq, %iota3A_154, %eq3A_271 : vector<512x8xi32>
    %jit3A_273 = arith.constant 0.000000e+00 : f32
    %broadcast_in_dim3A_274 = vector.broadcast %jit3A_273 : f32 to vector<512x8xf32>
    %select_n3A_275 = arith.select %eq3A_272, %dot_general3A_269, %broadcast_in_dim3A_274 : vector<512x8xi1>, vector<512x8xf32>
    %add3A_276 = arith.addf %add3A_261, %select_n3A_275 : vector<512x8xf32>
    %iota3A_277 = tpu.iota {dimensions = array<i32: 0>} : vector<8x512xi32>
    %broadcast_in_dim3A_278 = arith.constant 0.000000e+00 : f32
    %broadcast_in_dim3A_279 = vector.broadcast %broadcast_in_dim3A_278 : f32 to vector<8x512xf32>
    %get3A_280 = arith.constant 0 : index
    %get3A_281 = arith.constant 0 : index
    %get3A_282 = arith.constant 0 : index
    %get3A_283 = vector.load %arg0[%get3A_280, %get3A_281, %get3A_282] : memref<8x512x512xf32, #tpu.memory_space<vmem>>, vector<1x512x512xf32>
    %get3A_284 = vector.shape_cast %get3A_283 : vector<1x512x512xf32> to vector<512x512xf32>
    %dot_general3A_285 = arith.constant dense<0.000000e+00> : vector<8x512xf32>
    %dot_general3A_286 = tpu.matmul %add3A_276, %get3A_284, %dot_general3A_285 {dimension_numbers = #tpu.dot_dimension_numbers<[0], [0], [1], [1], [0, 1, 1, 1], [], []>, precision = #tpu.contract_precision<fp32>, transpose_lhs_hint = false} : vector<512x8xf32>, vector<512x512xf32>, vector<8x512xf32> -> vector<8x512xf32>
    %eq3A_287 = arith.constant 0 : i32
    %eq3A_288 = vector.broadcast %eq3A_287 : i32 to vector<8x512xi32>
    %eq3A_289 = arith.cmpi eq, %iota3A_277, %eq3A_288 : vector<8x512xi32>
    %jit3A_290 = arith.constant 0.000000e+00 : f32
    %broadcast_in_dim3A_291 = vector.broadcast %jit3A_290 : f32 to vector<8x512xf32>
    %select_n3A_292 = arith.select %eq3A_289, %dot_general3A_286, %broadcast_in_dim3A_291 : vector<8x512xi1>, vector<8x512xf32>
    %add3A_293 = arith.addf %broadcast_in_dim3A_279, %select_n3A_292 : vector<8x512xf32>
    %get3A_294 = arith.constant 1 : index
    %get3A_295 = arith.constant 0 : index
    %get3A_296 = arith.constant 0 : index
    %get3A_297 = vector.load %arg0[%get3A_294, %get3A_295, %get3A_296] : memref<8x512x512xf32, #tpu.memory_space<vmem>>, vector<1x512x512xf32>
    %get3A_298 = vector.shape_cast %get3A_297 : vector<1x512x512xf32> to vector<512x512xf32>
    %dot_general3A_299 = arith.constant dense<0.000000e+00> : vector<8x512xf32>
    %dot_general3A_300 = tpu.matmul %add3A_276, %get3A_298, %dot_general3A_299 {dimension_numbers = #tpu.dot_dimension_numbers<[0], [0], [1], [1], [0, 1, 1, 1], [], []>, precision = #tpu.contract_precision<fp32>, transpose_lhs_hint = false} : vector<512x8xf32>, vector<512x512xf32>, vector<8x512xf32> -> vector<8x512xf32>
    %eq3A_301 = arith.constant 1 : i32
    %eq3A_302 = vector.broadcast %eq3A_301 : i32 to vector<8x512xi32>
    %eq3A_303 = arith.cmpi eq, %iota3A_277, %eq3A_302 : vector<8x512xi32>
    %jit3A_304 = arith.constant 0.000000e+00 : f32
    %broadcast_in_dim3A_305 = vector.broadcast %jit3A_304 : f32 to vector<8x512xf32>
    %select_n3A_306 = arith.select %eq3A_303, %dot_general3A_300, %broadcast_in_dim3A_305 : vector<8x512xi1>, vector<8x512xf32>
    %add3A_307 = arith.addf %add3A_293, %select_n3A_306 : vector<8x512xf32>
    %get3A_308 = arith.constant 2 : index
    %get3A_309 = arith.constant 0 : index
    %get3A_310 = arith.constant 0 : index
    %get3A_311 = vector.load %arg0[%get3A_308, %get3A_309, %get3A_310] : memref<8x512x512xf32, #tpu.memory_space<vmem>>, vector<1x512x512xf32>
    %get3A_312 = vector.shape_cast %get3A_311 : vector<1x512x512xf32> to vector<512x512xf32>
    %dot_general3A_313 = arith.constant dense<0.000000e+00> : vector<8x512xf32>
    %dot_general3A_314 = tpu.matmul %add3A_276, %get3A_312, %dot_general3A_313 {dimension_numbers = #tpu.dot_dimension_numbers<[0], [0], [1], [1], [0, 1, 1, 1], [], []>, precision = #tpu.contract_precision<fp32>, transpose_lhs_hint = false} : vector<512x8xf32>, vector<512x512xf32>, vector<8x512xf32> -> vector<8x512xf32>
    %eq3A_315 = arith.constant 2 : i32
    %eq3A_316 = vector.broadcast %eq3A_315 : i32 to vector<8x512xi32>
    %eq3A_317 = arith.cmpi eq, %iota3A_277, %eq3A_316 : vector<8x512xi32>
    %jit3A_318 = arith.constant 0.000000e+00 : f32
    %broadcast_in_dim3A_319 = vector.broadcast %jit3A_318 : f32 to vector<8x512xf32>
    %select_n3A_320 = arith.select %eq3A_317, %dot_general3A_314, %broadcast_in_dim3A_319 : vector<8x512xi1>, vector<8x512xf32>
    %add3A_321 = arith.addf %add3A_307, %select_n3A_320 : vector<8x512xf32>
    %get3A_322 = arith.constant 3 : index
    %get3A_323 = arith.constant 0 : index
    %get3A_324 = arith.constant 0 : index
    %get3A_325 = vector.load %arg0[%get3A_322, %get3A_323, %get3A_324] : memref<8x512x512xf32, #tpu.memory_space<vmem>>, vector<1x512x512xf32>
    %get3A_326 = vector.shape_cast %get3A_325 : vector<1x512x512xf32> to vector<512x512xf32>
    %dot_general3A_327 = arith.constant dense<0.000000e+00> : vector<8x512xf32>
    %dot_general3A_328 = tpu.matmul %add3A_276, %get3A_326, %dot_general3A_327 {dimension_numbers = #tpu.dot_dimension_numbers<[0], [0], [1], [1], [0, 1, 1, 1], [], []>, precision = #tpu.contract_precision<fp32>, transpose_lhs_hint = false} : vector<512x8xf32>, vector<512x512xf32>, vector<8x512xf32> -> vector<8x512xf32>
    %eq3A_329 = arith.constant 3 : i32
    %eq3A_330 = vector.broadcast %eq3A_329 : i32 to vector<8x512xi32>
    %eq3A_331 = arith.cmpi eq, %iota3A_277, %eq3A_330 : vector<8x512xi32>
    %jit3A_332 = arith.constant 0.000000e+00 : f32
    %broadcast_in_dim3A_333 = vector.broadcast %jit3A_332 : f32 to vector<8x512xf32>
    %select_n3A_334 = arith.select %eq3A_331, %dot_general3A_328, %broadcast_in_dim3A_333 : vector<8x512xi1>, vector<8x512xf32>
    %add3A_335 = arith.addf %add3A_321, %select_n3A_334 : vector<8x512xf32>
    %get3A_336 = arith.constant 4 : index
    %get3A_337 = arith.constant 0 : index
    %get3A_338 = arith.constant 0 : index
    %get3A_339 = vector.load %arg0[%get3A_336, %get3A_337, %get3A_338] : memref<8x512x512xf32, #tpu.memory_space<vmem>>, vector<1x512x512xf32>
    %get3A_340 = vector.shape_cast %get3A_339 : vector<1x512x512xf32> to vector<512x512xf32>
    %dot_general3A_341 = arith.constant dense<0.000000e+00> : vector<8x512xf32>
    %dot_general3A_342 = tpu.matmul %add3A_276, %get3A_340, %dot_general3A_341 {dimension_numbers = #tpu.dot_dimension_numbers<[0], [0], [1], [1], [0, 1, 1, 1], [], []>, precision = #tpu.contract_precision<fp32>, transpose_lhs_hint = false} : vector<512x8xf32>, vector<512x512xf32>, vector<8x512xf32> -> vector<8x512xf32>
    %eq3A_343 = arith.constant 4 : i32
    %eq3A_344 = vector.broadcast %eq3A_343 : i32 to vector<8x512xi32>
    %eq3A_345 = arith.cmpi eq, %iota3A_277, %eq3A_344 : vector<8x512xi32>
    %jit3A_346 = arith.constant 0.000000e+00 : f32
    %broadcast_in_dim3A_347 = vector.broadcast %jit3A_346 : f32 to vector<8x512xf32>
    %select_n3A_348 = arith.select %eq3A_345, %dot_general3A_342, %broadcast_in_dim3A_347 : vector<8x512xi1>, vector<8x512xf32>
    %add3A_349 = arith.addf %add3A_335, %select_n3A_348 : vector<8x512xf32>
    %get3A_350 = arith.constant 5 : index
    %get3A_351 = arith.constant 0 : index
    %get3A_352 = arith.constant 0 : index
    %get3A_353 = vector.load %arg0[%get3A_350, %get3A_351, %get3A_352] : memref<8x512x512xf32, #tpu.memory_space<vmem>>, vector<1x512x512xf32>
    %get3A_354 = vector.shape_cast %get3A_353 : vector<1x512x512xf32> to vector<512x512xf32>
    %dot_general3A_355 = arith.constant dense<0.000000e+00> : vector<8x512xf32>
    %dot_general3A_356 = tpu.matmul %add3A_276, %get3A_354, %dot_general3A_355 {dimension_numbers = #tpu.dot_dimension_numbers<[0], [0], [1], [1], [0, 1, 1, 1], [], []>, precision = #tpu.contract_precision<fp32>, transpose_lhs_hint = false} : vector<512x8xf32>, vector<512x512xf32>, vector<8x512xf32> -> vector<8x512xf32>
    %eq3A_357 = arith.constant 5 : i32
    %eq3A_358 = vector.broadcast %eq3A_357 : i32 to vector<8x512xi32>
    %eq3A_359 = arith.cmpi eq, %iota3A_277, %eq3A_358 : vector<8x512xi32>
    %jit3A_360 = arith.constant 0.000000e+00 : f32
    %broadcast_in_dim3A_361 = vector.broadcast %jit3A_360 : f32 to vector<8x512xf32>
    %select_n3A_362 = arith.select %eq3A_359, %dot_general3A_356, %broadcast_in_dim3A_361 : vector<8x512xi1>, vector<8x512xf32>
    %add3A_363 = arith.addf %add3A_349, %select_n3A_362 : vector<8x512xf32>
    %get3A_364 = arith.constant 6 : index
    %get3A_365 = arith.constant 0 : index
    %get3A_366 = arith.constant 0 : index
    %get3A_367 = vector.load %arg0[%get3A_364, %get3A_365, %get3A_366] : memref<8x512x512xf32, #tpu.memory_space<vmem>>, vector<1x512x512xf32>
    %get3A_368 = vector.shape_cast %get3A_367 : vector<1x512x512xf32> to vector<512x512xf32>
    %dot_general3A_369 = arith.constant dense<0.000000e+00> : vector<8x512xf32>
    %dot_general3A_370 = tpu.matmul %add3A_276, %get3A_368, %dot_general3A_369 {dimension_numbers = #tpu.dot_dimension_numbers<[0], [0], [1], [1], [0, 1, 1, 1], [], []>, precision = #tpu.contract_precision<fp32>, transpose_lhs_hint = false} : vector<512x8xf32>, vector<512x512xf32>, vector<8x512xf32> -> vector<8x512xf32>
    %eq3A_371 = arith.constant 6 : i32
    %eq3A_372 = vector.broadcast %eq3A_371 : i32 to vector<8x512xi32>
    %eq3A_373 = arith.cmpi eq, %iota3A_277, %eq3A_372 : vector<8x512xi32>
    %jit3A_374 = arith.constant 0.000000e+00 : f32
    %broadcast_in_dim3A_375 = vector.broadcast %jit3A_374 : f32 to vector<8x512xf32>
    %select_n3A_376 = arith.select %eq3A_373, %dot_general3A_370, %broadcast_in_dim3A_375 : vector<8x512xi1>, vector<8x512xf32>
    %add3A_377 = arith.addf %add3A_363, %select_n3A_376 : vector<8x512xf32>
    %get3A_378 = arith.constant 7 : index
    %get3A_379 = arith.constant 0 : index
    %get3A_380 = arith.constant 0 : index
    %get3A_381 = vector.load %arg0[%get3A_378, %get3A_379, %get3A_380] : memref<8x512x512xf32, #tpu.memory_space<vmem>>, vector<1x512x512xf32>
    %get3A_382 = vector.shape_cast %get3A_381 : vector<1x512x512xf32> to vector<512x512xf32>
    %dot_general3A_383 = arith.constant dense<0.000000e+00> : vector<8x512xf32>
    %dot_general3A_384 = tpu.matmul %add3A_276, %get3A_382, %dot_general3A_383 {dimension_numbers = #tpu.dot_dimension_numbers<[0], [0], [1], [1], [0, 1, 1, 1], [], []>, precision = #tpu.contract_precision<fp32>, transpose_lhs_hint = false} : vector<512x8xf32>, vector<512x512xf32>, vector<8x512xf32> -> vector<8x512xf32>
    %eq3A_385 = arith.constant 7 : i32
    %eq3A_386 = vector.broadcast %eq3A_385 : i32 to vector<8x512xi32>
    %eq3A_387 = arith.cmpi eq, %iota3A_277, %eq3A_386 : vector<8x512xi32>
    %jit3A_388 = arith.constant 0.000000e+00 : f32
    %broadcast_in_dim3A_389 = vector.broadcast %jit3A_388 : f32 to vector<8x512xf32>
    %select_n3A_390 = arith.select %eq3A_387, %dot_general3A_384, %broadcast_in_dim3A_389 : vector<8x512xi1>, vector<8x512xf32>
    %add3A_391 = arith.addf %add3A_377, %select_n3A_390 : vector<8x512xf32>
    %get3A_392 = arith.constant 0 : index
    %get3A_393 = arith.constant 0 : index
    %get3A_394 = vector.load %arg5[%get3A_392, %get3A_393] : memref<64x512xf32, #tpu.memory_space<vmem>>, vector<64x512xf32>
    %dot_general3A_395 = arith.constant dense<0.000000e+00> : vector<8x64xf32>
    %dot_general3A_396 = tpu.matmul %add3A_391, %get3A_394, %dot_general3A_395 {dimension_numbers = #tpu.dot_dimension_numbers<[1], [1], [0], [0], [0, 0, 1, 0], [], []>, transpose_lhs_hint = false} : vector<8x512xf32>, vector<64x512xf32>, vector<8x64xf32> -> vector<8x64xf32>
    %get3A_397 = arith.constant 0 : index
    %get3A_398 = arith.constant 0 : index
    %get3A_399 = vector.load %arg6[%get3A_397, %get3A_398] : memref<1x64xf32, #tpu.memory_space<vmem>>, vector<1x64xf32>
    %add3A_400 = vector.broadcast %get3A_399 : vector<1x64xf32> to vector<8x64xf32>
    %add3A_401 = arith.addf %dot_general3A_396, %add3A_400 : vector<8x64xf32>
    %swap3A = arith.constant 0 : index
    %swap3A_402 = arith.constant 0 : index
    %swap3A_403 = vector.load %arg7[%swap3A, %swap3A_402] : memref<8x64xf32, #tpu.memory_space<vmem>>, vector<8x64xf32>
    tpu.vector_store %arg7[%swap3A, %swap3A_402], %add3A_401 {strides = array<i32>} : memref<8x64xf32, #tpu.memory_space<vmem>>, vector<8x64xf32>,
    %iota3A_404 = tpu.iota {dimensions = array<i32: 1>} : vector<8x256xi32>
    %lt3A_405 = vector.broadcast %get3A_4 : vector<8x1xi32> to vector<8x256xi32>
    %lt3A_406 = arith.cmpi slt, %iota3A_404, %lt3A_405 : vector<8x256xi32>
    %convert_element_type3A_407 = arith.extui %lt3A_406 : vector<8x256xi1> to vector<8x256xi32>
    %convert_element_type3A_408 = arith.sitofp %convert_element_type3A_407 : vector<8x256xi32> to vector<8x256xf32>
    %swap3A_409 = arith.constant 0 : index
    %swap3A_410 = arith.constant 0 : index
    %swap3A_411 = vector.load %arg8[%swap3A_409, %swap3A_410] : memref<8x256xf32, #tpu.memory_space<vmem>>, vector<8x256xf32>
    tpu.vector_store %arg8[%swap3A_409, %swap3A_410], %convert_element_type3A_408 {strides = array<i32>} : memref<8x256xf32, #tpu.memory_space<vmem>>, vector<8x256xf32>,
    return
  }
}

</mosaic_0001>

<sc_bundles>
// kernel: kernel.5.cloned.1.call-start
scs
__scs_entry_jumppad:
0x0: {  	(pc) =	sbr.rel $0x88, $3  }
0x1: {  	(tag) =	ssettag $0x0;
	lr =	simm.s32 $0x1  }
0x2: {  	[smem:$0x3F98] =	sst lr;
	_ =	strace $0xD0000000  }
0x3: {  	_ = 	snop  }
0x4: {  	_ = 	snop  }
0x5: {  	_ = 	snop  }
0x6: {  	_ = 	snop  }
0x7: {  	_ = 	snop  }
__scs_overlays_trampoline_lowered:
0x8: {  	[smem:$0x3FA7] =	sst s0  }
0x9: {  	[smem:$0x3FA8] =	sst s1  }
0xa: {  	[smem:$0x3FA9] =	sst s2  }
0xb: {  	[smem:$0x3FAA] =	sst s3  }
0xc: {  	[smem:$0x3FAB] =	sst s4  }
0xd: {  	[smem:$0x3FAC] =	sst s5  }
0xe: {  	[smem:$0x3FAD] =	sst s6  }
0xf: {  	[smem:$0x3FAE] =	sst s7  }
0x10: {  	[smem:$0x3FAF] =	sst s8  }
0x11: {  	[smem:$0x3FB0] =	sst s9;
	s0 =	simm.s32 @!p0 $0x0  }
0x12: {  	s1 =	sld [smem:$0x3F96];
	s0 =	simm.s32 @p0 $0x1  }
0x13: {  	[smem:$0x3FB1] =	sst s0;
	s0 =	simm.s32 @!p1 $0x0  }
0x14: {  	s2 =	sld [smem:$0x3F95];
	s0 =	simm.s32 @p1 $0x1  }
0x15: {  	[smem:$0x3FB2] =	sst s0;
	s0 =	simm.s32 @!p2 $0x0  }
0x16: {  	s3 =	sld [smem:$0x3FDB];
	s0 =	simm.s32 @p2 $0x1  }
0x17: {  	s4 =	simm.s32 $0x1BF5;
	[smem:$0x3FB4] =	sst s0  }
0x18: {  	s0 =	sld [smem:$0x3F97];
	_ =	swait.ge [sflag:s4], $0x0  }
0x19: {  	s7 =	sld [smem:$0x3F98]  }
0x1a: {  	s8 =	sadd.s32 $0xFFFFE003, lr  }
0x1b: {  	s9 =	sadd.s32 $0xFFFFFEF7, lr;
	s5 =	simm.s32 $0xFFFFFFFF;
	p2 =	slt.u32 s8, $0xFFFFF086  }
0x1c: {  	p1 =	slt.u32 s9, $0xF7A;
	s5 =	simm.s32 @!p2 $0x0  }
0x1d: {  	s5 =	simm.s32 @p1 $0x1;
	p0 =	seq.s32 s7, s2  }
0x1e: {  	s7 =	smul.u32 @!p0 $0xF7A, s2;
	p2 =	seq.s32 @!p0 s5, $0x0  }
0x1f: {  	s9 =	smul.u32 $0xF7A, s1;
	s8 =	simm.s32 @!p0 $0x1BF5;
	p2 =	por !p2, p0  }
0x20: {  	[sflag:s8] =	ssyncset.s32 @!p0 $0xFFFFF086;
	s6 =	sadd.s32 @!p0 s3, s7;
	s7 =	simm.s32 @!p0 $0x108  }
0x21: {  	s3 =	sadd.s32 s3, s9;
	s6 =	sadd.s32 @!p0 $0x88, s6;
	s7 =	simm.s32 @p2 $0x1082  }
0x22: {  	[simem:s7], [sflag:s8] =	dma.local @!p0 [hbm:s6], $0xF7A  }
0x23: {  	s9 =	sor.u32 $0xD0000000, s2;
	s6 =	simm.s32 $0x108;
	_ =	swait.ge @!p0 [sflag:s8], $0x0  }
0x24: {  	s3 =	sadd.s32 $0x88, s3;
	s6 =	simm.s32 @!p1 $0x1082;
	[sflag:s4] =	ssyncset.s32 $0xFFFFF086  }
0x25: {  	[simem:s6], [sflag:s4] =	dma.local [hbm:s3], $0xF7A  }
0x26: {  	[smem:$0x3F98] =	sst s1;
	(tag) =	ssettag s2;
	_ =	strace s9  }
0x27: {  	s1 =	sld [smem:$0x3FA8]  }
0x28: {  	s2 =	sld [smem:$0x3FA9]  }
0x29: {  	s4 =	sld [smem:$0x3FAB]  }
0x2a: {  	p0 =	seq.s32 s5, $0x0;
	s5 =	sld [smem:$0x3FAC]  }
0x2b: {  	s6 =	sld [smem:$0x3FAD]  }
0x2c: {  	s7 =	sld [smem:$0x3FAE]  }
0x2d: {  	s3 =	simm.s32 $0x108;
	s8 =	sld [smem:$0x3FAF]  }
0x2e: {  	s3 =	simm.s32 @!p0 $0x1082;
	s9 =	sld [smem:$0x3FB0]  }
0x2f: {  	lr =	sadd.s32 s0, s3;
	s0 =	sld [smem:$0x3FA7]  }
0x30: {  	s3 =	sld [smem:$0x3FAA]  }
0x31: {  	[smem:$0x3FB3] =	sst s10  }
0x32: {  	s10 =	sld [smem:$0x3FB1];
	_ =	sdelay $0x3  }
0x33: {  	p0 =	seq.s32 s10, $0x1;
	s10 =	sld [smem:$0x3FB3];
	_ =	sdelay $0x3  }
0x34: {  	[smem:$0x3FB3] =	sst s10  }
0x35: {  	s10 =	sld [smem:$0x3FB2];
	_ =	sdelay $0x3  }
0x36: {  	p1 =	seq.s32 s10, $0x1;
	s10 =	sld [smem:$0x3FB3];
	_ =	sdelay $0x3  }
0x37: {  	[smem:$0x3FB3] =	sst s10  }
0x38: {  	s10 =	sld [smem:$0x3FB4]  }
0x39: {  	_ = 	snop;
	(pc) =	sbr.ind lr, $3  }
0x3a: {  	_ = 	snop  }
0x3b: {  	_ = 	snop  }
0x3c: {  	p2 =	seq.s32 s10, $0x1;
	s10 =	sld [smem:$0x3FB3]  }
0x3d: {  	_ =	shalt  }
0x3e: {  	_ =	shalt  }
0x3f: {  	_ =	shalt  }
0x40: {  	_ =	shalt  }
0x41: {  	_ =	shalt  }
0x42: {  	_ =	shalt  }
0x43: {  	_ =	shalt  }
0x44: {  	_ =	shalt  }
0x45: {  	_ =	shalt  }
0x46: {  	_ =	shalt  }
0x47: {  	_ =	shalt  }
0x48: {  	_ =	shalt  }
0x49: {  	_ =	shalt  }
0x4a: {  	_ =	shalt  }
0x4b: {  	_ =	shalt  }
0x4c: {  	_ =	shalt  }
0x4d: {  	_ =	shalt  }
0x4e: {  	_ =	shalt  }
0x4f: {  	_ =	shalt  }
0x50: {  	_ =	shalt  }
0x51: {  	_ =	shalt  }
0x52: {  	_ =	shalt  }
0x53: {  	_ =	shalt  }
0x54: {  	_ =	shalt  }
0x55: {  	_ =	shalt  }
0x56: {  	_ =	shalt  }
0x57: {  	_ =	shalt  }
0x58: {  	_ =	shalt  }
0x59: {  	_ =	shalt  }
0x5a: {  	_ =	shalt  }
0x5b: {  	_ =	shalt  }
0x5c: {  	_ =	shalt  }
0x5d: {  	_ =	shalt  }
0x5e: {  	_ =	shalt  }
0x5f: {  	_ =	shalt  }
0x60: {  	_ =	shalt  }
0x61: {  	_ =	shalt  }
0x62: {  	_ =	shalt  }
0x63: {  	_ =	shalt  }
0x64: {  	_ =	shalt  }
0x65: {  	_ =	shalt  }
0x66: {  	_ =	shalt  }
0x67: {  	_ =	shalt  }
0x68: {  	_ =	shalt  }
0x69: {  	_ =	shalt  }
0x6a: {  	_ =	shalt  }
0x6b: {  	_ =	shalt  }
0x6c: {  	_ =	shalt  }
0x6d: {  	_ =	shalt  }
0x6e: {  	_ =	shalt  }
0x6f: {  	_ =	shalt  }
0x70: {  	_ =	shalt  }
0x71: {  	_ =	shalt  }
0x72: {  	_ =	shalt  }
0x73: {  	_ =	shalt  }
0x74: {  	_ =	shalt  }
0x75: {  	_ =	shalt  }
0x76: {  	_ =	shalt  }
0x77: {  	_ =	shalt  }
0x78: {  	_ =	shalt  }
0x79: {  	_ =	shalt  }
0x7a: {  	_ =	shalt  }
0x7b: {  	_ =	shalt  }
0x7c: {  	_ =	shalt  }
0x7d: {  	_ =	shalt  }
0x7e: {  	_ =	shalt  }
0x7f: {  	_ =	shalt  }
0x80: {  	_ =	shalt  }
0x81: {  	_ =	shalt  }
0x82: {  	_ =	shalt  }
0x83: {  	_ =	shalt  }
0x84: {  	_ =	shalt  }
0x85: {  	_ =	shalt  }
0x86: {  	_ =	shalt  }
0x87: {  	_ =	shalt  }
.Lfunc_end0:
.L_simem_size_0:
called_computation_lowered:
.L_overlay_start_0:
0x88: {  	s2 =	sld [smem:$0x3FD9]  }
0x89: {  	s3 =	sld [smem:$0x3FFE];
	_ =	sdelay $0x1  }
0x8a: {  	s1 =	srdreg.scid  }
0x8b: {  	s0 =	sand.u32 $0x1, s1  }
0x8c: {  	s16 =	sshll.u32 s0, $0xA;
	s2 =	sadd.s32 s3, s2  }
0x8d: {  	s2 =	sadd.s32 s2, s16  }
0x8e: {  	[smem:$0x3FBF] =	sst s2  }
0x8f: {  	_ = 	snop  }
0x90: {  	(tm) =	ssettm $0x1  }
0x91: {  	s17 =	sld [smem:$0x3FFB];
	_ =	sdelay $0x3  }
0x92: {  	_ =	strace s17  }
0x93: {  	s2 =	sld [smem:$0x3FFC];
	_ =	sdelay $0x3  }
0x94: {  	_ =	strace s2  }
0x95: {  	s2 =	sld [smem:$0x3FFD];
	_ =	sdelay $0x3  }
0x96: {  	_ =	strace s2  }
0x97: {  	_ =	strace $0x8FFFFFFF  }
0x98: {  	s18 =	sld [smem:$0x3FDB];
	_ =	sdelay $0x1  }
0x99: {  	s19 =	simm.s32 $_scs_section_size  }
0x9a: {  	s4 =	simm.s32 $_size__tile_overlayer_lowered;
	s5 =	simm.s32 $_tile_overlayer_lowered  }
0x9b: {  	s22 =	simm.s32 $0x1BFF;
	s21 =	sshll.u32 s5, $0x1;
	s2 =	sadd.s32 s19, s18  }
0x9c: {  	s6 =	simm.s32 $0x0;
	s20 =	sshll.u32 s4, $0x1;
	s4 =	sadd.s32 s21, s2  }
0x9d: {  	[timem:s6], [sflag:s22] =	dma.local [hbm:s4], s20  }
0x9e: {  	_ =	swait.ge [sflag:s22], s20  }
0x9f: {  	s3 =	ssub.s32 $0x0, s20;
	[sflag:s22] =	ssyncset.done $0x0  }
0xa0: {  	[sflag:s22] =	ssyncadd.s32 s3;
	_ =	sdelay $0x1  }
0xa1: {  	s23 =	simm.s32 $0x1B8B  }
0xa2: {  	_ =	swait.ge [sflag:s23], $0x1  }
0xa3: {  	[sflag:s23] =	ssyncset.done $0x0  }
0xa4: {  	s25 =	simm.s32 $0x1B8E;
	s24 =	sld [smem:$0x3FFE];
	[sflag:s23] =	ssyncadd.s32 $0xFFFFFFFF  }
0xa5: {  	s26 =	simm.s32 $execute0_lowered;
	[smem:$0x3FD2] =	sst s25  }
0xa6: {  	s4 =	sshll.u32 s26, $0x1;
	_ =	strace $0x80000046;
	[dreg:$0x1] =	wrdreg $0xFFFFFFFF  }
0xa7: {  	s28 =	simm.s32 $_size_execute0_lowered;
	s2 =	sadd.s32 s2, s4;
	[dreg:$0x0] =	wrdreg $0x0  }
0xa8: {  	s4 =	sshll.u32 s28, $0x1;
	[dreg:$0x2] =	wrdreg s2  }
0xa9: {  	[dreg:$0x3] =	wrdreg s4  }
0xaa: {  	[dreg:$0x4] =	wrdreg $0xC0  }
0xab: {  	_ =	task [dreg:s6], $0x5FFFF  }
0xac: {  	[dreg:$0x1] =	wrdreg $0xFFFFFFFF  }
0xad: {  	[dreg:$0x0] =	wrdreg $0x60  }
0xae: {  	[dreg:$0x2] =	wrdreg s24  }
0xaf: {  	[dreg:$0x3] =	wrdreg $0x9  }
0xb0: {  	_ =	task.clear_ibuf [dreg:s6], $0x4FFFF;
	_ =	strace $0x90000046  }
0xb1: {  	s29 =	simm.s32 $0x9;
	_ =	strace $0x80000048  }
0xb2: {  	_ =	swait.ge [sflag:s29], $0x1  }
0xb3: {  	[sflag:s29] =	ssyncadd.s32 $0xFFFFFFFF  }
0xb4: {  	_ =	strace $0x90000048  }
0xb5: {  	_ =	sfence  }
0xb6: {  	s30 =	sld [smem:$0x0];
	_ =	sdelay $0x2  }
0xb7: {  	s31 =	sshll.u32 s1, $0xD;
	s1 =	sshrl.u32 s1, $0x2  }
0xb8: {  	s3 =	sand.u32 $0x4000, s31;
	s1 =	sadd.s32 s1, s30  }
0xb9: {  	s0 =	sor.u32 s3, s0;
	s1 =	sshll.u32 s1, $0x11  }
0xba: {  	s0 =	sor.u32 s1, s0  }
0xbb: {  	s0 =	sadd.s32 $0x8F2B, s0  }
0xbc: {  	[sflag:s0] =	ssyncadd.remote.s32 $0x1  }
0xbd: {  	_ =	sfence.sel $0xFFFF  }
0xbe: {  	[dreg:$0x0] =	wrdreg $0xFFFFFFFF;
	(pc) =	sbr.abs _section_cstart, $3  }
0xbf: {  	[dreg:$0x1] =	wrdreg $0xFFFFFFFF  }
0xc0: {  	_ =	task.clear_ibuf [dreg:s6], $0x2FFFF;
	_ =	strace $0x9FFFFFFF  }
0xc1: {  	(tm) =	ssettm $0x7FFFFFFF  }
tec
execute0_lowered:
.L_overlay_start_1:
0x0: {  	(tag) =	ssettag $0x1  }
0x1: {  	s1 =	stileid.u32  }
0x2: {  	p0 =	sgt.u32 s1, $0x3  }
.Ltmp0:
0x3: {  	_ = 	snop;
	(pc) =	sbr.rel @p0 .LBB2_9-.Ltmp0, $4  }
0x4: {  	_ = 	snop  }
0x5: {  	s3 =	rddreg [dreg:$0x0];
	s2 =	simm.s32 $0x0  }
0x6: {  	[smem:$0x7FF] =	sst s2  }
0x7: {  	s0 =	rddreg [dreg:$0x1];
	_ =	strace $0x80000047  }
0x8: {  	v0 =	vimm.s32 $0xFEDCBA98  }
0x9: {  	v2 =	vimm.s32 $0x76543210;
	vm0 =	vcmask $0x300;
	v3 =	vimm.s32 $0xBA98FEDC  }
0xa: {  	v4 =	vimm.s32 $0x32107654;
	v5 =	vimm.s32 $0xDCFE98BA;
	v6 =	vimm.s32 $0x54761032  }
0xb: {  	v7 =	vimm.s32 $0xEFCDAB89;
	v8 =	vimm.s32 $0x67452301;
	vm1 =	vcmask $0x704  }
0xc: {  	v1 =	vunpack.c.l.s4.s8 v0;
	v2 =	vunpack.c.l.s4.s8 v2;
	v3 =	vunpack.c.l.s4.s8 v3  }
0xd: {  	v4 =	vunpack.c.l.s4.s8 v4;
	v5 =	vunpack.c.l.s4.s8 v5;
	v6 =	vunpack.c.l.s4.s8 v6  }
0xe: {  	s4 =	srdreg.scid;
	s5 =	sshll.u32 s1, $0x5;
	s7 =	sadd.s32 $0x4A00, s3;
	v7 =	vunpack.c.l.s4.s8 v7;
	v8 =	vunpack.c.l.s4.s8 v8;
	v1 =	vunpack.c.0.s8.s32 v1  }
0xf: {  	s10 =	simm.s32 $0x1;
	s11 =	simm.s32 $0x300;
	s12 =	simm.s32 $0x380;
	v3 =	vunpack.c.0.s8.s32 v3;
	v4 =	vunpack.c.0.s8.s32 v4;
	v5 =	vunpack.c.0.s8.s32 v5  }
0x10: {  	s13 =	simm.s32 $0x480;
	s14 =	simm.s32 $0x280;
	s4 =	sand.u32 $0x1, s4;
	v6 =	vunpack.c.0.s8.s32 v6;
	v7 =	vunpack.c.0.s8.s32 v7;
	v8 =	vunpack.c.0.s8.s32 v8  }
.Ltmp1:
0x11: {  	s6 =	sshll.u32 s4, $0x4;
	s8 =	ssub.s32 $0x2, s4;
	v2 =	vunpack.c.0.s8.s32 v2;
	v1 =	vand.u32 $0xF, v1;
	v3 =	vcombine.low v4, v3;
	(pc) =	sbr.rel .LBB2_2-.Ltmp1, $4  }
0x12: {  	s15 =	simm.s32 $0x0;
	s6 =	sor.u32 s6, s5;
	s9 =	sshrl.u32 s8, $0x1;
	v4 =	vcombine.low v6, v5;
	v5 =	vcombine.low v8, v7;
	v6 =	vlaneseq.u32  }
0x13: {  	v0 =	vimm.s32 $0x7FFFFFFF;
	s5 =	sadd.s32 s6, s3;
	s8 =	ssub.s32 s8, s9;
	s6 =	sadd.s32 s7, s6;
	v1 =	vcombine.low v1, v2;
	v2 =	vmul.u32 $0x400, v6  }
0x14: {  	s9 =	simm.s32 $0x400;
	s3 =	sadd.s32 $0xA00, s5;
	s4 =	sadd.s32 $0xC00, s5;
	v3 =	vand.u32 $0xF, v3;
	v4 =	vand.u32 $0xF, v4;
	v5 =	vand.u32 $0xF, v5  }
0x15: {  	s5 =	sadd.s32 $0xE00, s5;
	s7 =	smax.u32 s8, $0x1;
	s8 =	simm.s32 $0x80;
	v6 =	vor.u32 $0x4000, v2;
	v7 =	vor.u32 $0x8000, v2;
	v8 =	vor.u32 $0xC000, v2  }
.LBB2_8:
0x16: {  	p0 =	slt.s32 s16, $0x100;
	v9 =	vmov s17  }
0x17: {  	s16 =	simm.s32 @!p0 $0x100;
	v9 =	vnsel vm0, $0x0, v9  }
0x18: {  	v9 =	vsel vm1, s16, v9  }
0x19: {  	[tilespmem:$0x480] =	vst v9  }
0x1a: {  	[hbm4b:s3+s2] =	stream.linear.scatter [tilespmem:s11], [sflag:$0x1], $0x80, $0x38;
	[tilespmem:$0x500] =	vst v63  }
0x1b: {  	_ =	swait.ge [sflag:s10], $0x80  }
0x1c: {  	[sflag:s10] =	ssyncset.done $0x0  }
0x1d: {  	[sflag:s10] =	ssyncadd.s32 $0xFFFFFF80  }
0x1e: {  	[hbm4b:s4+s8] =	stream.strided.scatter [tilespmem:s12], [sflag:$0x1], $0x100, s9, s8, $0x38;
	[tilespmem:$0x500] =	vst v63  }
0x1f: {  	s15 =	sadd.s32 $0x1, s15;
	_ =	swait.ge [sflag:s10], $0x100  }
0x20: {  	p0 =	sne.s32 s15, s7;
	[sflag:s10] =	ssyncset.done $0x0  }
.Ltmp2:
0x21: {  	[sflag:s10] =	ssyncadd.s32 $0xFFFFFF00;
	(pc) =	sbr.rel @!p0 .LBB2_9-.Ltmp2, $4  }
0x22: {  	[hbm4b:s5+s2] =	stream.linear.scatter [tilespmem:s13], [sflag:$0x1], $0x80, $0x38;
	[tilespmem:$0x500] =	vst v63  }
0x23: {  	_ =	swait.ge [sflag:s10], $0x80  }
0x24: {  	[sflag:s10] =	ssyncset.done $0x0  }
0x25: {  	[sflag:s10] =	ssyncadd.s32 $0xFFFFFF80  }
.LBB2_2:
0x26: {  	s16 =	simm.s32 $0x0  }
0x27: {  	[tilespmem:s16], [sflag:$0x1] =	stream.strided.gather [hbm4b:s6+s8], $0x200, s9, s8, $0x38;
	[tilespmem:$0x500] =	vst v63  }
0x28: {  	_ =	swait.ge [sflag:s10], $0x200  }
0x29: {  	[sflag:s10] =	ssyncset.done $0x0  }
.Ltmp3:
0x2a: {  	[sflag:s10] =	ssyncadd.s32 $0xFFFFFE00;
	(pc) =	sbr.rel .LBB2_3-.Ltmp3, $4  }
0x2b: {  	[tilespmem:$0x280] =	vst v0  }
0x2c: {  	[tilespmem:$0x290] =	vst v0  }
0x2d: {  	[tilespmem:$0x2A0] =	vst v0  }
0x2e: {  	s18 =	simm.s32 $0x0;
	s17 =	simm.s32 $0x0;
	s19 =	simm.s32 $0x0;
	[tilespmem:$0x2B0] =	vst v0  }
.LBB2_6:
0x2f: {  	v10 =	vmov s17;
	_ =	sdelay $0x2  }
0x30: {  	v9 =	vbroadcast v9, $0x0;
	_ =	sdelay $0x1  }
0x31: {  	[tilespmem:v10+s14+$0x0] =	vst.idx.msk $0x1, v9;
	v9 =	vmov s19  }
0x32: {  	s17 =	sadd.s32 $0x1, s17;
	[tilespmem:v10+s11+$0x0] =	vst.idx.msk $0x1, v9  }
.LBB2_7:
0x33: {  	s19 =	sadd.s32 $0x1, s19  }
0x34: {  	p0 =	sne.s32 s19, $0x1FD  }
.Ltmp4:
0x35: {  	_ = 	snop;
	(pc) =	sbr.rel @!p0 .LBB2_8-.Ltmp4, $2  }
0x36: {  	_ =	sdelay $0x2  }
0x37: {  	s18 =	sadd.s32 $0x1, s18  }
.LBB2_3:
0x38: {  	v9 =	vld [tilespmem:s18+$0x0];
	_ =	sdelay $0x4  }
0x39: {  	(v2sf) =	vpush v9, $0x0;
	_ =	sdelay $0xe  }
0x3a: {  	s20 =	spop (v2sf)  }
0x3b: {  	p0 =	seq.s32 s20, $0x7FFFFFFF  }
.Ltmp5:
0x3c: {  	_ = 	snop;
	(pc) =	sbr.rel @p0 .LBB2_7-.Ltmp5, $1  }
0x3d: {  	_ =	sdelay $0x3  }
0x3e: {  	p0 =	slt.s32 s17, $0x40  }
.Ltmp6:
0x3f: {  	_ = 	snop;
	(pc) =	sbr.rel @p0 .LBB2_6-.Ltmp6, $1  }
0x40: {  	_ =	sdelay $0x3  }
0x41: {  	v10 =	vld [tilespmem:$0x280]  }
0x42: {  	v11 =	vld [tilespmem:$0x290]  }
0x43: {  	v12 =	vld [tilespmem:$0x2A0]  }
0x44: {  	v13 =	vld [tilespmem:$0x2B0];
	_ =	sdelay $0x4  }
0x45: {  	vm2 =	vlt.s32 v10, v11;
	vm3 =	vlt.s32 v12, v13  }
0x46: {  	v14 =	vsel vm2, v10, v11;
	v15 =	vsel vm3, v12, v13  }
0x47: {  	vm2 =	vlt.s32 v14, v15  }
0x48: {  	v14 =	vsel vm2, v14, v15  }
0x49: {  	v15 =	vperm.xlane v14, v1;
	_ =	sdelay $0x1  }
0x4a: {  	vm2 =	vlt.s32 v14, v15  }
0x4b: {  	v14 =	vsel vm2, v14, v15  }
0x4c: {  	v15 =	vperm.xlane v14, v3;
	_ =	sdelay $0x1  }
0x4d: {  	vm2 =	vlt.s32 v14, v15  }
0x4e: {  	v14 =	vsel vm2, v14, v15  }
0x4f: {  	v15 =	vperm.xlane v14, v4;
	_ =	sdelay $0x1  }
0x50: {  	vm2 =	vlt.s32 v14, v15  }
0x51: {  	v14 =	vsel vm2, v14, v15  }
0x52: {  	v15 =	vperm.xlane v14, v5  }
0x53: {  	v16 =	vld [tilespmem:$0x310]  }
0x54: {  	v17 =	vld [tilespmem:$0x300];
	vm2 =	vlt.s32 v14, v15  }
0x55: {  	v14 =	vsel vm2, v14, v15  }
0x56: {  	v14 =	vbroadcast v14, $0x0  }
0x57: {  	v60 =	vld [tilespmem:$0x320]  }
0x58: {  	vm2 =	veq.s32 v11, v14;
	v11 =	vadd.s32 v6, v16  }
0x59: {  	v61 =	vadd.s32 v2, v17;
	v11 =	vnsel vm2, $0x7FFFFFFF, v11  }
0x5a: {  	v62 =	vld [tilespmem:$0x330];
	vm2 =	vlt.s32 v61, v11  }
0x5b: {  	vm3 =	veq.s32 v10, v14;
	v10 =	vsel vm2, v61, v11  }
0x5c: {  	v10 =	vsel vm3, v10, v11;
	v11 =	vadd.s32 v7, v60  }
0x5d: {  	vm2 =	vlt.s32 v10, v11  }
0x5e: {  	vm3 =	veq.s32 v12, v14;
	v11 =	vsel vm2, v10, v11  }
0x5f: {  	v10 =	vsel vm3, v11, v10;
	v11 =	vadd.s32 v8, v62  }
0x60: {  	vm2 =	vlt.s32 v10, v11  }
0x61: {  	vm3 =	veq.s32 v13, v14;
	v11 =	vsel vm2, v10, v11  }
0x62: {  	v10 =	vsel vm3, v11, v10  }
0x63: {  	v11 =	vperm.xlane v10, v1;
	_ =	sdelay $0x1  }
0x64: {  	vm2 =	vlt.s32 v10, v11  }
0x65: {  	v10 =	vsel vm2, v10, v11  }
0x66: {  	v11 =	vperm.xlane v10, v3;
	_ =	sdelay $0x1  }
0x67: {  	vm2 =	vlt.s32 v10, v11  }
0x68: {  	v10 =	vsel vm2, v10, v11  }
0x69: {  	v11 =	vperm.xlane v10, v4;
	_ =	sdelay $0x1  }
0x6a: {  	vm2 =	vlt.s32 v10, v11  }
0x6b: {  	v10 =	vsel vm2, v10, v11  }
0x6c: {  	v11 =	vperm.xlane v10, v5;
	_ =	sdelay $0x1  }
0x6d: {  	vm2 =	vlt.s32 v10, v11  }
0x6e: {  	v10 =	vsel vm2, v10, v11  }
0x6f: {  	(v2sf) =	vpush v10, $0x0;
	_ =	sdelay $0xc  }
0x70: {  	v10 =	vmov s16  }
0x71: {  	v10 =	vand.u32 $0xFF, v10  }
0x72: {  	v10 =	vbroadcast v10, $0x0;
	s20 =	spop (v2sf)  }
0x73: {  	s21 =	sshra.s32 s20, $0xA  }
0x74: {  	v11 =	vmov s21;
	_ =	sdelay $0x1  }
.Ltmp7:
0x75: {  	s20 =	sand.u32 $0x3FF, s20;
	(pc) =	sbr.rel .LBB2_7-.Ltmp7, $4  }
0x76: {  	v9 =	vbroadcast v9, $0x0;
	v63 =	vmov s20  }
0x77: {  	[tilespmem:v10+s12+$0x0] =	vst.idx.msk $0x1, v63  }
0x78: {  	[tilespmem:v11+s14+$0x0] =	vst.idx.msk $0x1, v9;
	v9 =	vmov s19  }
0x79: {  	s16 =	sadd.s32 $0x1, s16;
	[tilespmem:v11+s11+$0x0] =	vst.idx.msk $0x1, v9  }
.LBB2_9:
0x7a: {  	_ =	sfence.sel $0x180000  }
0x7b: {  	[bflag:$0x0] =	sbarrier.arrive $0xFFFF  }
0x7c: {  	p0 =	sne.s32 s1, $0x0;
	_ =	strace $0x90000047  }
0x7d: {  	s0 =	sadd.s32 @!p0 $0x100000, s0;
	[bflag:$0x2] =	sbarrier.arrive $0xFFFF  }
0x7e: {  	[sflag:s0] =	ssyncadd.tile.s32 @!p0 $0x1;
	_ =	shalt  }
.Lfunc_end2:
_tile_overlayer_lowered:
.L_overlay_start_2:
0x7f: {  	(tag) =	ssettag $0x2  }
0x80: {  	s0 =	rddreg [dreg:$0x0];
	s2 =	stileid.u32  }
0x81: {  	s1 =	rddreg [dreg:$0x1];
	p0 =	sne.s32 s2, $0x0  }
0x82: {  	s3 =	rddreg [dreg:$0x2];
	[bflag:$0x3] =	sbarrier.arrive $0xFFFF;
	s2 =	simm.s32 @!p0 $0x1C01  }
0x83: {  	[timem:s3], [sflag:s2] =	dma.local @!p0 [hbm:s0], s1  }
0x84: {  	s0 =	simm.s32 @!p0 $0x1  }
0x85: {  	_ =	swait.ge @!p0 [sflag:s0], s1  }
0x86: {  	s1 =	ssub.s32 @!p0 $0x0, s1;
	[sflag:s0] =	ssyncset.done @!p0 $0x0  }
0x87: {  	[sflag:s0] =	ssyncadd.s32 @!p0 s1  }
0x88: {  	[bflag:$0x3] =	sbarrier.arrive $0xFFFF  }
0x89: {  	_ =	shalt  }

</sc_bundles>
